<compile_context>
chip_gen: v7x
topology: tpu7x:2x2x1
jax: 0.10.2.dev20260603
libtpu: 0.0.44.dev20260713+nightly
codegen_flags: <defaults>
</compile_context>

<pallas_src>
import functools

import jax
import jax.numpy as jnp
from jax import lax
from jax.experimental import pallas as pl
from jax.experimental.pallas import tpu as pltpu
from jax.experimental.pallas import tpu_sc as plsc

D = 128
N = 32768
NC = 2
NS = 16
L = 16
NW = NC * NS
SC_COLS = 4096
COLS_PER_W = SC_COLS // NW
CHUNK = 128
NCHUNK = COLS_PER_W // CHUNK
NBUF = 3
NGROUP = CHUNK // L
N_BISECT = 8
RU = 16


def _sc_body(x_hbm, a_hbm, out_hbm, xv, av, in_sems, out_sems):
    wid = lax.axis_index("s") * NC + lax.axis_index("c")
    col0 = wid * COLS_PER_W

    pltpu.sync_copy(a_hbm, av)
    a_vec = av[...]
    neg_aa = -1.0 / (1.0 + jnp.exp(-a_vec))

    def in_slice(ci):
        return x_hbm.at[:, pl.ds(col0 + ci * CHUNK, CHUNK)]

    def out_slice(ci):
        return out_hbm.at[:, pl.ds(col0 + ci * CHUNK, CHUNK)]

    for ci in range(min(2, NCHUNK)):
        pltpu.async_copy(in_slice(ci), xv.at[ci], in_sems.at[ci])

    def chunk_body(ci, _):
        b = lax.rem(ci, NBUF)
        pltpu.make_async_copy(in_slice(ci), xv.at[b], in_sems.at[b]).wait()

        def group_body(g, _):
            c0 = g * L
            neg_big = jnp.full((L,), -3.0e38, jnp.float32)

            @plsc.parallel_loop(
                0, D, step=RU, carry=(neg_big, neg_big, neg_big, neg_big)
            )
            def _max_loop(r, ms):
                ms = list(ms)
                for k in range(RU):
                    ms[k % 4] = jnp.maximum(
                        ms[k % 4], xv[b, r + k, pl.ds(c0, L)]
                    )
                return tuple(ms)

            m0, m1, m2, m3 = _max_loop
            m = jnp.maximum(jnp.maximum(m0, m1), jnp.maximum(m2, m3))

            lo = m - 1.0
            hi = m - (1.0 / D)

            def bisect_body(j, lohi):
                blo, bhi = lohi
                mid = 0.5 * (blo + bhi)
                z = jnp.zeros((L,), jnp.float32)

                @plsc.parallel_loop(0, D, step=RU, carry=(z, z, z, z))
                def _f_loop(r, acc):
                    acc = list(acc)
                    for k in range(RU):
                        v = xv[b, r + k, pl.ds(c0, L)]
                        rl = jnp.maximum(v - mid, 0.0)
                        acc[k % 4] = acc[k % 4] + rl
                    return tuple(acc)

                s0, s1, s2, s3 = _f_loop
                pred = ((s0 + s1) + (s2 + s3)) > 1.0
                blo = jnp.where(pred, mid, blo)
                bhi = jnp.where(pred, bhi, mid)
                return (blo, bhi)

            lo, hi = lax.fori_loop(0, N_BISECT, bisect_body, (lo, hi))
            t = 0.5 * (lo + hi)

            @plsc.parallel_loop(0, D, step=1, unroll=8)
            def _(r):
                v = xv[b, r, pl.ds(c0, L)]
                p = jnp.maximum(v - t, 0.0)
                xv[b, r, pl.ds(c0, L)] = jnp.exp(neg_aa * p)

            return 0

        lax.fori_loop(0, NGROUP, group_body, 0)
        pltpu.async_copy(xv.at[b], out_slice(ci), out_sems.at[b])

        @pl.when(ci + 2 < NCHUNK)
        def _():
            b2 = lax.rem(ci + 2, NBUF)

            @pl.when(ci >= 1)
            def _():
                pltpu.make_async_copy(
                    xv.at[b2], out_slice(ci - 1), out_sems.at[b2]
                ).wait()

            pltpu.async_copy(in_slice(ci + 2), xv.at[b2], in_sems.at[b2])

        return 0

    lax.fori_loop(0, NCHUNK, chunk_body, 0)

    for ci in range(max(0, NCHUNK - NBUF), NCHUNK):
        b = ci % NBUF
        pltpu.make_async_copy(xv.at[b], out_slice(ci), out_sems.at[b]).wait()


TC_BN = 2048


def _tc_body(a_sref, x_ref, o_ref):
    a_val = a_sref[0]
    neg_aa = -1.0 / (1.0 + jnp.exp(-a_val))
    x = x_ref[...]
    m = jnp.max(x, axis=0, keepdims=True)
    lo = m - 1.0
    hi = m - (1.0 / D)

    def bisect_body(j, lohi):
        blo, bhi = lohi
        mid = 0.5 * (blo + bhi)
        f = jnp.sum(jnp.maximum(x - mid, 0.0), axis=0, keepdims=True)
        pred = f > 1.0
        return (jnp.where(pred, mid, blo), jnp.where(pred, bhi, mid))

    lo, hi = lax.fori_loop(0, N_BISECT, bisect_body, (lo, hi))
    t = 0.5 * (lo + hi)
    o_ref[...] = jnp.exp(neg_aa * jnp.maximum(x - t, 0.0))


def _tc_half(x, a):
    ncols = N - SC_COLS
    off = SC_COLS // TC_BN
    a_arr = jnp.reshape(a.astype(jnp.float32), (1,))
    return pl.pallas_call(
        _tc_body,
        grid=(ncols // TC_BN,),
        in_specs=[
            pl.BlockSpec(memory_space=pltpu.SMEM),
            pl.BlockSpec((D, TC_BN), lambda i: (0, i + off)),
        ],
        out_specs=pl.BlockSpec((D, TC_BN), lambda i: (0, i + off)),
        out_shape=jax.ShapeDtypeStruct((D, N), jnp.float32),
    )(a_arr, x)


@functools.partial(jax.jit, static_argnames=())
def kernel(x, a):
    a_vec = jnp.broadcast_to(a.astype(jnp.float32), (L,))
    run = pl.kernel(
        _sc_body,
        mesh=plsc.VectorSubcoreMesh(core_axis_name="c", subcore_axis_name="s"),
        out_type=jax.ShapeDtypeStruct((D, SC_COLS), jnp.float32),
        scratch_types=[
            pltpu.VMEM((NBUF, D, CHUNK), jnp.float32),
            pltpu.VMEM((L,), jnp.float32),
            pltpu.SemaphoreType.DMA((NBUF,)),
            pltpu.SemaphoreType.DMA((NBUF,)),
        ],
    )
    sc_out = run(x, a_vec)
    tc_full = _tc_half(x, a)
    return lax.dynamic_update_slice(tc_full, sc_out, (0, 0))

# --- scband reference (transcript-rebuilt; emitter-appended) ---
"""Pipeline reference for scband-distance-85839216377862 (READ-ONLY COPY).

The authoritative reference and input builder live on the scoring server;
editing this copy changes nothing except your own understanding.
"""

import jax, jax.numpy as jnp
import numpy as np


def _sparsemax(x, axis=0):
    # Sparsemax (Martins & Astudillo, 2016) along `axis`.
    d = x.shape[axis]
    z = jnp.flip(jnp.sort(x, axis=axis), axis=axis)  # descending sort
    shape = [1] * x.ndim
    shape[axis] = d
    k = jnp.arange(1, d + 1, dtype=x.dtype).reshape(shape)
    z_cumsum = jnp.cumsum(z, axis=axis)
    support = (1.0 + k * z) > z_cumsum
    k_max = jnp.sum(support.astype(x.dtype), axis=axis, keepdims=True)
    idx = jnp.clip(k_max.astype(jnp.int32) - 1, 0, d - 1)
    z_cumsum_k = jnp.take_along_axis(z_cumsum, idx, axis=axis)
    tau = (z_cumsum_k - 1.0) / k_max
    return jnp.maximum(x - tau, 0.0)


def setup_inputs(seed: int = 0) -> dict:
    key = jax.random.key(seed)
    k1, _ = jax.random.split(key)
    x = jax.random.normal(k1, (128, 32768), dtype=jnp.float32)
    a = jnp.array(1.0, dtype=jnp.float32)  # nn.Parameter a, init 1.0
    return {"x": x, "a": a}


def reference(x, a):
    p = _sparsemax(x, axis=0)
    aa = jax.nn.sigmoid(a)
    return jnp.exp(-aa * p)

if __name__ == "__main__":
    import jax
    _d = setup_inputs()
    print(jax.jit(kernel)(*tuple(_d.values())))

</pallas_src>

<mosaic_0001>
#map = affine_map<(d0, d1) -> (0, 0)>
#map1 = affine_map<(d0, d1) -> (0)>
module attributes {stable_mosaic.version = 14 : i64} {
  func.func @_sc_body(%arg0: i32, %arg1: i32, %arg2: memref<128x32768xf32, #tpu.memory_space<hbm>>, %arg3: memref<16xf32, #tpu.memory_space<hbm>>, %arg4: memref<128x4096xf32, #tpu.memory_space<hbm>>, %arg5: memref<3x128x128xf32, #tpu.memory_space<vmem>>, %arg6: memref<16xf32, #tpu.memory_space<vmem>>, %arg7: memref<3x!tpu.dma_semaphore, #tpu.memory_space<semaphore_mem>>, %arg8: memref<3x!tpu.dma_semaphore, #tpu.memory_space<semaphore_mem>>) attributes {dimension_semantics = [#tpu.dimension_semantics<core_parallel>, #tpu.dimension_semantics<subcore_parallel>], iteration_bounds = array<i64: 2, 16>, scalar_prefetch = 0 : i64, scratch_operands = 4 : i64, tpu.core_type = #tpu.core_type<sc_vector_subcore>, window_params = [{transform_indices = #map}, {transform_indices = #map1}, {transform_indices = #map}]} {
    %mul3A = arith.constant 2 : i32
    %mul3A_0 = arith.muli %arg1, %mul3A : i32
    %add3A = arith.addi %mul3A_0, %arg0 : i32
    %mul3A_1 = arith.constant 128 : i32
    %mul3A_2 = arith.muli %add3A, %mul3A_1 : i32
    "tpu.region"() ({
      %run_scoped3A = tpu.sem_alloc : memref<!tpu.dma_semaphore, #tpu.memory_space<semaphore_mem>>
      tpu.enqueue_dma source(%arg3 : memref<16xf32, #tpu.memory_space<hbm>>) target(%arg6 : memref<16xf32, #tpu.memory_space<vmem>>) target_semaphore(%run_scoped3A : memref<!tpu.dma_semaphore, #tpu.memory_space<semaphore_mem>>)
      tpu.wait_dma2 semaphore(%run_scoped3A : memref<!tpu.dma_semaphore, #tpu.memory_space<semaphore_mem>>) src(%arg3 : memref<16xf32, #tpu.memory_space<hbm>>) dst(%arg6 : memref<16xf32, #tpu.memory_space<vmem>>)
      tpu.yield
    }) : () -> ()
    %get3A = arith.constant 0 : index
    %get3A_3 = tpu.vector_load %arg6[%get3A] {strides = array<i32>} : memref<16xf32, #tpu.memory_space<vmem>>, vector<16xf32>,
    %get3A_4 = vector.shape_cast %get3A_3 : vector<16xf32> to vector<16xf32>
    %neg3A = arith.constant 0.000000e+00 : f32
    %neg3A_5 = vector.broadcast %neg3A : f32 to vector<16xf32>
    %neg3A_6 = arith.subf %neg3A_5, %get3A_4 : vector<16xf32>
    %exp3A = math.exp %neg3A_6 : vector<16xf32>
    %add3A_7 = arith.constant 1.000000e+00 : f32
    %add3A_8 = vector.broadcast %add3A_7 : f32 to vector<16xf32>
    %add3A_9 = arith.addf %add3A_8, %exp3A : vector<16xf32>
    %div3A = arith.constant -1.000000e+00 : f32
    %div3A_10 = vector.broadcast %div3A : f32 to vector<16xf32>
    %div3A_11 = arith.divf %div3A_10, %add3A_9 : vector<16xf32>
    %add3A_12 = arith.constant 0 : i32
    %add3A_13 = arith.addi %mul3A_2, %add3A_12 : i32
    %dma_start3A = arith.constant 0 : i32
    %dma_start3A_14 = arith.constant 0 : i32
    %dma_start3A_15 = arith.constant 0 : i32
    %dma_start3A_16 = arith.constant 0 : i32
    %dma_start3A_17 = tpu.memref_slice %arg5[%dma_start3A, %dma_start3A_15, %dma_start3A_16] : memref<3x128x128xf32, #tpu.memory_space<vmem>> -> memref<1x128x128xf32, #tpu.memory_space<vmem>>
    %dma_start3A_18 = tpu.memref_squeeze %dma_start3A_17 : memref<1x128x128xf32, #tpu.memory_space<vmem>> -> memref<128x128xf32, #tpu.memory_space<vmem>>
    %dma_start3A_19 = arith.constant 0 : i32
    %dma_start3A_20 = tpu.memref_slice %arg2[%dma_start3A_19, %add3A_13] : memref<128x32768xf32, #tpu.memory_space<hbm>> -> memref<128x128xf32, #tpu.memory_space<hbm>>
    %dma_start3A_21 = tpu.memref_slice %arg7[%dma_start3A_14] : memref<3x!tpu.dma_semaphore, #tpu.memory_space<semaphore_mem>> -> memref<1x!tpu.dma_semaphore, #tpu.memory_space<semaphore_mem>>
    %dma_start3A_22 = tpu.memref_squeeze %dma_start3A_21 : memref<1x!tpu.dma_semaphore, #tpu.memory_space<semaphore_mem>> -> memref<!tpu.dma_semaphore, #tpu.memory_space<semaphore_mem>>
    %dma_start3A_23 = arith.constant 0 : i32
    %dma_start3A_24 = arith.constant 0 : i32
    %dma_start3A_25 = tpu.memref_slice %arg5[%dma_start3A, %dma_start3A_23, %dma_start3A_24] : memref<3x128x128xf32, #tpu.memory_space<vmem>> -> memref<1x128x128xf32, #tpu.memory_space<vmem>>
    %dma_start3A_26 = tpu.memref_squeeze %dma_start3A_25 : memref<1x128x128xf32, #tpu.memory_space<vmem>> -> memref<128x128xf32, #tpu.memory_space<vmem>>
    %dma_start3A_27 = arith.constant 0 : i32
    %dma_start3A_28 = tpu.memref_slice %arg2[%dma_start3A_27, %add3A_13] : memref<128x32768xf32, #tpu.memory_space<hbm>> -> memref<128x128xf32, #tpu.memory_space<hbm>>
    tpu.enqueue_dma source(%dma_start3A_28 : memref<128x128xf32, #tpu.memory_space<hbm>>) target(%dma_start3A_26 : memref<128x128xf32, #tpu.memory_space<vmem>>) target_semaphore(%dma_start3A_22 : memref<!tpu.dma_semaphore, #tpu.memory_space<semaphore_mem>>)
    %scan3A = arith.constant 0 : i32
    %scan3A_29 = arith.constant 0 : i32
    %rem3A = arith.constant 3 : i32
    %rem3A_30 = arith.remsi %scan3A_29, %rem3A : i32
    %mul3A_31 = arith.constant 128 : i32
    %mul3A_32 = arith.muli %scan3A_29, %mul3A_31 : i32
    %add3A_33 = arith.addi %mul3A_2, %mul3A_32 : i32
    %dma_wait3A = arith.constant 0 : i32
    %dma_wait3A_34 = arith.constant 0 : i32
    %dma_wait3A_35 = tpu.memref_slice %arg5[%rem3A_30, %dma_wait3A, %dma_wait3A_34] : memref<3x128x128xf32, #tpu.memory_space<vmem>> -> memref<1x128x128xf32, #tpu.memory_space<vmem>>
    %dma_wait3A_36 = tpu.memref_squeeze %dma_wait3A_35 : memref<1x128x128xf32, #tpu.memory_space<vmem>> -> memref<128x128xf32, #tpu.memory_space<vmem>>
    %dma_wait3A_37 = arith.constant 0 : i32
    %dma_wait3A_38 = tpu.memref_slice %arg2[%dma_wait3A_37, %add3A_33] : memref<128x32768xf32, #tpu.memory_space<hbm>> -> memref<128x128xf32, #tpu.memory_space<hbm>>
    %dma_wait3A_39 = tpu.memref_slice %arg7[%rem3A_30] : memref<3x!tpu.dma_semaphore, #tpu.memory_space<semaphore_mem>> -> memref<1x!tpu.dma_semaphore, #tpu.memory_space<semaphore_mem>>
    %dma_wait3A_40 = tpu.memref_squeeze %dma_wait3A_39 : memref<1x!tpu.dma_semaphore, #tpu.memory_space<semaphore_mem>> -> memref<!tpu.dma_semaphore, #tpu.memory_space<semaphore_mem>>
    %dma_wait3A_41 = arith.constant 0 : i32
    %dma_wait3A_42 = arith.constant 0 : i32
    %dma_wait3A_43 = tpu.memref_slice %arg5[%rem3A_30, %dma_wait3A_41, %dma_wait3A_42] : memref<3x128x128xf32, #tpu.memory_space<vmem>> -> memref<1x128x128xf32, #tpu.memory_space<vmem>>
    %dma_wait3A_44 = tpu.memref_squeeze %dma_wait3A_43 : memref<1x128x128xf32, #tpu.memory_space<vmem>> -> memref<128x128xf32, #tpu.memory_space<vmem>>
    %dma_wait3A_45 = arith.constant 0 : i32
    %dma_wait3A_46 = tpu.memref_slice %arg2[%dma_wait3A_45, %add3A_33] : memref<128x32768xf32, #tpu.memory_space<hbm>> -> memref<128x128xf32, #tpu.memory_space<hbm>>
    tpu.wait_dma2 semaphore(%dma_wait3A_40 : memref<!tpu.dma_semaphore, #tpu.memory_space<semaphore_mem>>) src(%dma_wait3A_46 : memref<128x128xf32, #tpu.memory_space<hbm>>) dst(%dma_wait3A_44 : memref<128x128xf32, #tpu.memory_space<vmem>>)
    %scan3A_47 = arith.constant 0 : i32
    %scan3A_48 = arith.constant 0 : i32
    %scan3A_49 = arith.constant 8 : i32
    %scan3A_50 = arith.addi %scan3A_48, %scan3A_49 : i32
    %scan3A_51 = arith.constant 1 : i32
    %scan3A_52 = scf.for %scan3A_95 = %scan3A_48 to %scan3A_50 step %scan3A_51 iter_args(%scan3A_96 = %scan3A_47) -> (i32)  : i32 {
      %mul3A_97 = arith.constant 16 : i32
      %mul3A_98 = arith.muli %scan3A_95, %mul3A_97 : i32
      %broadcast_in_dim3A = arith.constant -3.000000e+38 : f32
      %broadcast_in_dim3A_99 = vector.broadcast %broadcast_in_dim3A : f32 to vector<16xf32>
      %parallel_loop3A = arith.constant 0 : i32
      %parallel_loop3A_100 = arith.constant 128 : i32
      %parallel_loop3A_101 = arith.constant 16 : i32
      %parallel_loop3A_102:4 = scf.for %parallel_loop3A_124 = %parallel_loop3A to %parallel_loop3A_100 step %parallel_loop3A_101 iter_args(%parallel_loop3A_125 = %broadcast_in_dim3A_99, %parallel_loop3A_126 = %broadcast_in_dim3A_99, %parallel_loop3A_127 = %broadcast_in_dim3A_99, %parallel_loop3A_128 = %broadcast_in_dim3A_99) -> (vector<16xf32>, vector<16xf32>, vector<16xf32>, vector<16xf32>)  : i32 {
        %parallel_loop3A_129 = arith.constant 0 : i32
        %parallel_loop3A_130 = arith.addi %parallel_loop3A_124, %parallel_loop3A_129 : i32
        %parallel_loop3A_131 = arith.index_cast %rem3A_30 : i32 to index
        %parallel_loop3A_132 = arith.index_cast %parallel_loop3A_130 : i32 to index
        %parallel_loop3A_133 = arith.index_cast %mul3A_98 : i32 to index
        %parallel_loop3A_134 = tpu.vector_load %arg5[%parallel_loop3A_131, %parallel_loop3A_132, %parallel_loop3A_133] {strides = array<i32>} : memref<3x128x128xf32, #tpu.memory_space<vmem>>, vector<1x1x16xf32>,
        %parallel_loop3A_135 = vector.shape_cast %parallel_loop3A_134 : vector<1x1x16xf32> to vector<16xf32>
        %parallel_loop3A_136 = arith.maximumf %parallel_loop3A_125, %parallel_loop3A_135 : vector<16xf32>
        %parallel_loop3A_137 = arith.constant 1 : i32
        %parallel_loop3A_138 = arith.addi %parallel_loop3A_124, %parallel_loop3A_137 : i32
        %parallel_loop3A_139 = arith.index_cast %rem3A_30 : i32 to index
        %parallel_loop3A_140 = arith.index_cast %parallel_loop3A_138 : i32 to index
        %parallel_loop3A_141 = arith.index_cast %mul3A_98 : i32 to index
        %parallel_loop3A_142 = tpu.vector_load %arg5[%parallel_loop3A_139, %parallel_loop3A_140, %parallel_loop3A_141] {strides = array<i32>} : memref<3x128x128xf32, #tpu.memory_space<vmem>>, vector<1x1x16xf32>,
        %parallel_loop3A_143 = vector.shape_cast %parallel_loop3A_142 : vector<1x1x16xf32> to vector<16xf32>
        %parallel_loop3A_144 = arith.maximumf %parallel_loop3A_126, %parallel_loop3A_143 : vector<16xf32>
        %parallel_loop3A_145 = arith.constant 2 : i32
        %parallel_loop3A_146 = arith.addi %parallel_loop3A_124, %parallel_loop3A_145 : i32
        %parallel_loop3A_147 = arith.index_cast %rem3A_30 : i32 to index
        %parallel_loop3A_148 = arith.index_cast %parallel_loop3A_146 : i32 to index
        %parallel_loop3A_149 = arith.index_cast %mul3A_98 : i32 to index
        %parallel_loop3A_150 = tpu.vector_load %arg5[%parallel_loop3A_147, %parallel_loop3A_148, %parallel_loop3A_149] {strides = array<i32>} : memref<3x128x128xf32, #tpu.memory_space<vmem>>, vector<1x1x16xf32>,
        %parallel_loop3A_151 = vector.shape_cast %parallel_loop3A_150 : vector<1x1x16xf32> to vector<16xf32>
        %parallel_loop3A_152 = arith.maximumf %parallel_loop3A_127, %parallel_loop3A_151 : vector<16xf32>
        %parallel_loop3A_153 = arith.constant 3 : i32
        %parallel_loop3A_154 = arith.addi %parallel_loop3A_124, %parallel_loop3A_153 : i32
        %parallel_loop3A_155 = arith.index_cast %rem3A_30 : i32 to index
        %parallel_loop3A_156 = arith.index_cast %parallel_loop3A_154 : i32 to index
        %parallel_loop3A_157 = arith.index_cast %mul3A_98 : i32 to index
        %parallel_loop3A_158 = tpu.vector_load %arg5[%parallel_loop3A_155, %parallel_loop3A_156, %parallel_loop3A_157] {strides = array<i32>} : memref<3x128x128xf32, #tpu.memory_space<vmem>>, vector<1x1x16xf32>,
        %parallel_loop3A_159 = vector.shape_cast %parallel_loop3A_158 : vector<1x1x16xf32> to vector<16xf32>
        %parallel_loop3A_160 = arith.maximumf %parallel_loop3A_128, %parallel_loop3A_159 : vector<16xf32>
        %parallel_loop3A_161 = arith.constant 4 : i32
        %parallel_loop3A_162 = arith.addi %parallel_loop3A_124, %parallel_loop3A_161 : i32
        %parallel_loop3A_163 = arith.index_cast %rem3A_30 : i32 to index
        %parallel_loop3A_164 = arith.index_cast %parallel_loop3A_162 : i32 to index
        %parallel_loop3A_165 = arith.index_cast %mul3A_98 : i32 to index
        %parallel_loop3A_166 = tpu.vector_load %arg5[%parallel_loop3A_163, %parallel_loop3A_164, %parallel_loop3A_165] {strides = array<i32>} : memref<3x128x128xf32, #tpu.memory_space<vmem>>, vector<1x1x16xf32>,
        %parallel_loop3A_167 = vector.shape_cast %parallel_loop3A_166 : vector<1x1x16xf32> to vector<16xf32>
        %parallel_loop3A_168 = arith.maximumf %parallel_loop3A_136, %parallel_loop3A_167 : vector<16xf32>
        %parallel_loop3A_169 = arith.constant 5 : i32
        %parallel_loop3A_170 = arith.addi %parallel_loop3A_124, %parallel_loop3A_169 : i32
        %parallel_loop3A_171 = arith.index_cast %rem3A_30 : i32 to index
        %parallel_loop3A_172 = arith.index_cast %parallel_loop3A_170 : i32 to index
        %parallel_loop3A_173 = arith.index_cast %mul3A_98 : i32 to index
        %parallel_loop3A_174 = tpu.vector_load %arg5[%parallel_loop3A_171, %parallel_loop3A_172, %parallel_loop3A_173] {strides = array<i32>} : memref<3x128x128xf32, #tpu.memory_space<vmem>>, vector<1x1x16xf32>,
        %parallel_loop3A_175 = vector.shape_cast %parallel_loop3A_174 : vector<1x1x16xf32> to vector<16xf32>
        %parallel_loop3A_176 = arith.maximumf %parallel_loop3A_144, %parallel_loop3A_175 : vector<16xf32>
        %parallel_loop3A_177 = arith.constant 6 : i32
        %parallel_loop3A_178 = arith.addi %parallel_loop3A_124, %parallel_loop3A_177 : i32
        %parallel_loop3A_179 = arith.index_cast %rem3A_30 : i32 to index
        %parallel_loop3A_180 = arith.index_cast %parallel_loop3A_178 : i32 to index
        %parallel_loop3A_181 = arith.index_cast %mul3A_98 : i32 to index
        %parallel_loop3A_182 = tpu.vector_load %arg5[%parallel_loop3A_179, %parallel_loop3A_180, %parallel_loop3A_181] {strides = array<i32>} : memref<3x128x128xf32, #tpu.memory_space<vmem>>, vector<1x1x16xf32>,
        %parallel_loop3A_183 = vector.shape_cast %parallel_loop3A_182 : vector<1x1x16xf32> to vector<16xf32>
        %parallel_loop3A_184 = arith.maximumf %parallel_loop3A_152, %parallel_loop3A_183 : vector<16xf32>
        %parallel_loop3A_185 = arith.constant 7 : i32
        %parallel_loop3A_186 = arith.addi %parallel_loop3A_124, %parallel_loop3A_185 : i32
        %parallel_loop3A_187 = arith.index_cast %rem3A_30 : i32 to index
        %parallel_loop3A_188 = arith.index_cast %parallel_loop3A_186 : i32 to index
        %parallel_loop3A_189 = arith.index_cast %mul3A_98 : i32 to index
        %parallel_loop3A_190 = tpu.vector_load %arg5[%parallel_loop3A_187, %parallel_loop3A_188, %parallel_loop3A_189] {strides = array<i32>} : memref<3x128x128xf32, #tpu.memory_space<vmem>>, vector<1x1x16xf32>,
        %parallel_loop3A_191 = vector.shape_cast %parallel_loop3A_190 : vector<1x1x16xf32> to vector<16xf32>
        %parallel_loop3A_192 = arith.maximumf %parallel_loop3A_160, %parallel_loop3A_191 : vector<16xf32>
        %parallel_loop3A_193 = arith.constant 8 : i32
        %parallel_loop3A_194 = arith.addi %parallel_loop3A_124, %parallel_loop3A_193 : i32
        %parallel_loop3A_195 = arith.index_cast %rem3A_30 : i32 to index
        %parallel_loop3A_196 = arith.index_cast %parallel_loop3A_194 : i32 to index
        %parallel_loop3A_197 = arith.index_cast %mul3A_98 : i32 to index
        %parallel_loop3A_198 = tpu.vector_load %arg5[%parallel_loop3A_195, %parallel_loop3A_196, %parallel_loop3A_197] {strides = array<i32>} : memref<3x128x128xf32, #tpu.memory_space<vmem>>, vector<1x1x16xf32>,
        %parallel_loop3A_199 = vector.shape_cast %parallel_loop3A_198 : vector<1x1x16xf32> to vector<16xf32>
        %parallel_loop3A_200 = arith.maximumf %parallel_loop3A_168, %parallel_loop3A_199 : vector<16xf32>
        %parallel_loop3A_201 = arith.constant 9 : i32
        %parallel_loop3A_202 = arith.addi %parallel_loop3A_124, %parallel_loop3A_201 : i32
        %parallel_loop3A_203 = arith.index_cast %rem3A_30 : i32 to index
        %parallel_loop3A_204 = arith.index_cast %parallel_loop3A_202 : i32 to index
        %parallel_loop3A_205 = arith.index_cast %mul3A_98 : i32 to index
        %parallel_loop3A_206 = tpu.vector_load %arg5[%parallel_loop3A_203, %parallel_loop3A_204, %parallel_loop3A_205] {strides = array<i32>} : memref<3x128x128xf32, #tpu.memory_space<vmem>>, vector<1x1x16xf32>,
        %parallel_loop3A_207 = vector.shape_cast %parallel_loop3A_206 : vector<1x1x16xf32> to vector<16xf32>
        %parallel_loop3A_208 = arith.maximumf %parallel_loop3A_176, %parallel_loop3A_207 : vector<16xf32>
        %parallel_loop3A_209 = arith.constant 10 : i32
        %parallel_loop3A_210 = arith.addi %parallel_loop3A_124, %parallel_loop3A_209 : i32
        %parallel_loop3A_211 = arith.index_cast %rem3A_30 : i32 to index
        %parallel_loop3A_212 = arith.index_cast %parallel_loop3A_210 : i32 to index
        %parallel_loop3A_213 = arith.index_cast %mul3A_98 : i32 to index
        %parallel_loop3A_214 = tpu.vector_load %arg5[%parallel_loop3A_211, %parallel_loop3A_212, %parallel_loop3A_213] {strides = array<i32>} : memref<3x128x128xf32, #tpu.memory_space<vmem>>, vector<1x1x16xf32>,
        %parallel_loop3A_215 = vector.shape_cast %parallel_loop3A_214 : vector<1x1x16xf32> to vector<16xf32>
        %parallel_loop3A_216 = arith.maximumf %parallel_loop3A_184, %parallel_loop3A_215 : vector<16xf32>
        %parallel_loop3A_217 = arith.constant 11 : i32
        %parallel_loop3A_218 = arith.addi %parallel_loop3A_124, %parallel_loop3A_217 : i32
        %parallel_loop3A_219 = arith.index_cast %rem3A_30 : i32 to index
        %parallel_loop3A_220 = arith.index_cast %parallel_loop3A_218 : i32 to index
        %parallel_loop3A_221 = arith.index_cast %mul3A_98 : i32 to index
        %parallel_loop3A_222 = tpu.vector_load %arg5[%parallel_loop3A_219, %parallel_loop3A_220, %parallel_loop3A_221] {strides = array<i32>} : memref<3x128x128xf32, #tpu.memory_space<vmem>>, vector<1x1x16xf32>,
        %parallel_loop3A_223 = vector.shape_cast %parallel_loop3A_222 : vector<1x1x16xf32> to vector<16xf32>
        %parallel_loop3A_224 = arith.maximumf %parallel_loop3A_192, %parallel_loop3A_223 : vector<16xf32>
        %parallel_loop3A_225 = arith.constant 12 : i32
        %parallel_loop3A_226 = arith.addi %parallel_loop3A_124, %parallel_loop3A_225 : i32
        %parallel_loop3A_227 = arith.index_cast %rem3A_30 : i32 to index
        %parallel_loop3A_228 = arith.index_cast %parallel_loop3A_226 : i32 to index
        %parallel_loop3A_229 = arith.index_cast %mul3A_98 : i32 to index
        %parallel_loop3A_230 = tpu.vector_load %arg5[%parallel_loop3A_227, %parallel_loop3A_228, %parallel_loop3A_229] {strides = array<i32>} : memref<3x128x128xf32, #tpu.memory_space<vmem>>, vector<1x1x16xf32>,
        %parallel_loop3A_231 = vector.shape_cast %parallel_loop3A_230 : vector<1x1x16xf32> to vector<16xf32>
        %parallel_loop3A_232 = arith.maximumf %parallel_loop3A_200, %parallel_loop3A_231 : vector<16xf32>
        %parallel_loop3A_233 = arith.constant 13 : i32
        %parallel_loop3A_234 = arith.addi %parallel_loop3A_124, %parallel_loop3A_233 : i32
        %parallel_loop3A_235 = arith.index_cast %rem3A_30 : i32 to index
        %parallel_loop3A_236 = arith.index_cast %parallel_loop3A_234 : i32 to index
        %parallel_loop3A_237 = arith.index_cast %mul3A_98 : i32 to index
        %parallel_loop3A_238 = tpu.vector_load %arg5[%parallel_loop3A_235, %parallel_loop3A_236, %parallel_loop3A_237] {strides = array<i32>} : memref<3x128x128xf32, #tpu.memory_space<vmem>>, vector<1x1x16xf32>,
        %parallel_loop3A_239 = vector.shape_cast %parallel_loop3A_238 : vector<1x1x16xf32> to vector<16xf32>
        %parallel_loop3A_240 = arith.maximumf %parallel_loop3A_208, %parallel_loop3A_239 : vector<16xf32>
        %parallel_loop3A_241 = arith.constant 14 : i32
        %parallel_loop3A_242 = arith.addi %parallel_loop3A_124, %parallel_loop3A_241 : i32
        %parallel_loop3A_243 = arith.index_cast %rem3A_30 : i32 to index
        %parallel_loop3A_244 = arith.index_cast %parallel_loop3A_242 : i32 to index
        %parallel_loop3A_245 = arith.index_cast %mul3A_98 : i32 to index
        %parallel_loop3A_246 = tpu.vector_load %arg5[%parallel_loop3A_243, %parallel_loop3A_244, %parallel_loop3A_245] {strides = array<i32>} : memref<3x128x128xf32, #tpu.memory_space<vmem>>, vector<1x1x16xf32>,
        %parallel_loop3A_247 = vector.shape_cast %parallel_loop3A_246 : vector<1x1x16xf32> to vector<16xf32>
        %parallel_loop3A_248 = arith.maximumf %parallel_loop3A_216, %parallel_loop3A_247 : vector<16xf32>
        %parallel_loop3A_249 = arith.constant 15 : i32
        %parallel_loop3A_250 = arith.addi %parallel_loop3A_124, %parallel_loop3A_249 : i32
        %parallel_loop3A_251 = arith.index_cast %rem3A_30 : i32 to index
        %parallel_loop3A_252 = arith.index_cast %parallel_loop3A_250 : i32 to index
        %parallel_loop3A_253 = arith.index_cast %mul3A_98 : i32 to index
        %parallel_loop3A_254 = tpu.vector_load %arg5[%parallel_loop3A_251, %parallel_loop3A_252, %parallel_loop3A_253] {strides = array<i32>} : memref<3x128x128xf32, #tpu.memory_space<vmem>>, vector<1x1x16xf32>,
        %parallel_loop3A_255 = vector.shape_cast %parallel_loop3A_254 : vector<1x1x16xf32> to vector<16xf32>
        %parallel_loop3A_256 = arith.maximumf %parallel_loop3A_224, %parallel_loop3A_255 : vector<16xf32>
        scf.yield %parallel_loop3A_232, %parallel_loop3A_240, %parallel_loop3A_248, %parallel_loop3A_256 : vector<16xf32>, vector<16xf32>, vector<16xf32>, vector<16xf32>
      } {sc.loop_unroll_factor = 1 : i64, sc.parallel_access}
      %max3A = arith.maximumf %parallel_loop3A_102#0, %parallel_loop3A_102#1 : vector<16xf32>
      %max3A_103 = arith.maximumf %parallel_loop3A_102#2, %parallel_loop3A_102#3 : vector<16xf32>
      %max3A_104 = arith.maximumf %max3A, %max3A_103 : vector<16xf32>
      %sub3A = arith.constant 1.000000e+00 : f32
      %sub3A_105 = vector.broadcast %sub3A : f32 to vector<16xf32>
      %sub3A_106 = arith.subf %max3A_104, %sub3A_105 : vector<16xf32>
      %sub3A_107 = arith.constant 7.812500e-03 : f32
      %sub3A_108 = vector.broadcast %sub3A_107 : f32 to vector<16xf32>
      %sub3A_109 = arith.subf %max3A_104, %sub3A_108 : vector<16xf32>
      %scan3A_110 = arith.constant 0 : i32
      %scan3A_111 = arith.constant 8 : i32
      %scan3A_112 = arith.addi %scan3A_110, %scan3A_111 : i32
      %scan3A_113 = arith.constant 1 : i32
      %scan3A_114:2 = scf.for %scan3A_124 = %scan3A_110 to %scan3A_112 step %scan3A_113 iter_args(%scan3A_125 = %sub3A_106, %scan3A_126 = %sub3A_109) -> (vector<16xf32>, vector<16xf32>)  : i32 {
        %add3A_127 = arith.addf %scan3A_125, %scan3A_126 : vector<16xf32>
        %mul3A_128 = arith.constant 5.000000e-01 : f32
        %mul3A_129 = vector.broadcast %mul3A_128 : f32 to vector<16xf32>
        %mul3A_130 = arith.mulf %mul3A_129, %add3A_127 : vector<16xf32>
        %broadcast_in_dim3A_131 = arith.constant 0.000000e+00 : f32
        %broadcast_in_dim3A_132 = vector.broadcast %broadcast_in_dim3A_131 : f32 to vector<16xf32>
        %parallel_loop3A_133 = arith.constant 0 : i32
        %parallel_loop3A_134 = arith.constant 128 : i32
        %parallel_loop3A_135 = arith.constant 16 : i32
        %parallel_loop3A_136:4 = scf.for %parallel_loop3A_143 = %parallel_loop3A_133 to %parallel_loop3A_134 step %parallel_loop3A_135 iter_args(%parallel_loop3A_144 = %broadcast_in_dim3A_132, %parallel_loop3A_145 = %broadcast_in_dim3A_132, %parallel_loop3A_146 = %broadcast_in_dim3A_132, %parallel_loop3A_147 = %broadcast_in_dim3A_132) -> (vector<16xf32>, vector<16xf32>, vector<16xf32>, vector<16xf32>)  : i32 {
          %parallel_loop3A_148 = arith.constant 0 : i32
          %parallel_loop3A_149 = arith.addi %parallel_loop3A_143, %parallel_loop3A_148 : i32
          %parallel_loop3A_150 = arith.index_cast %rem3A_30 : i32 to index
          %parallel_loop3A_151 = arith.index_cast %parallel_loop3A_149 : i32 to index
          %parallel_loop3A_152 = arith.index_cast %mul3A_98 : i32 to index
          %parallel_loop3A_153 = tpu.vector_load %arg5[%parallel_loop3A_150, %parallel_loop3A_151, %parallel_loop3A_152] {strides = array<i32>} : memref<3x128x128xf32, #tpu.memory_space<vmem>>, vector<1x1x16xf32>,
          %parallel_loop3A_154 = vector.shape_cast %parallel_loop3A_153 : vector<1x1x16xf32> to vector<16xf32>
          %parallel_loop3A_155 = arith.subf %parallel_loop3A_154, %mul3A_130 : vector<16xf32>
          %parallel_loop3A_156 = arith.constant 0.000000e+00 : f32
          %parallel_loop3A_157 = vector.broadcast %parallel_loop3A_156 : f32 to vector<16xf32>
          %parallel_loop3A_158 = arith.maximumf %parallel_loop3A_155, %parallel_loop3A_157 : vector<16xf32>
          %parallel_loop3A_159 = arith.addf %parallel_loop3A_144, %parallel_loop3A_158 : vector<16xf32>
          %parallel_loop3A_160 = arith.constant 1 : i32
          %parallel_loop3A_161 = arith.addi %parallel_loop3A_143, %parallel_loop3A_160 : i32
          %parallel_loop3A_162 = arith.index_cast %rem3A_30 : i32 to index
          %parallel_loop3A_163 = arith.index_cast %parallel_loop3A_161 : i32 to index
          %parallel_loop3A_164 = arith.index_cast %mul3A_98 : i32 to index
          %parallel_loop3A_165 = tpu.vector_load %arg5[%parallel_loop3A_162, %parallel_loop3A_163, %parallel_loop3A_164] {strides = array<i32>} : memref<3x128x128xf32, #tpu.memory_space<vmem>>, vector<1x1x16xf32>,
          %parallel_loop3A_166 = vector.shape_cast %parallel_loop3A_165 : vector<1x1x16xf32> to vector<16xf32>
          %parallel_loop3A_167 = arith.subf %parallel_loop3A_166, %mul3A_130 : vector<16xf32>
          %parallel_loop3A_168 = arith.constant 0.000000e+00 : f32
          %parallel_loop3A_169 = vector.broadcast %parallel_loop3A_168 : f32 to vector<16xf32>
          %parallel_loop3A_170 = arith.maximumf %parallel_loop3A_167, %parallel_loop3A_169 : vector<16xf32>
          %parallel_loop3A_171 = arith.addf %parallel_loop3A_145, %parallel_loop3A_170 : vector<16xf32>
          %parallel_loop3A_172 = arith.constant 2 : i32
          %parallel_loop3A_173 = arith.addi %parallel_loop3A_143, %parallel_loop3A_172 : i32
          %parallel_loop3A_174 = arith.index_cast %rem3A_30 : i32 to index
          %parallel_loop3A_175 = arith.index_cast %parallel_loop3A_173 : i32 to index
          %parallel_loop3A_176 = arith.index_cast %mul3A_98 : i32 to index
          %parallel_loop3A_177 = tpu.vector_load %arg5[%parallel_loop3A_174, %parallel_loop3A_175, %parallel_loop3A_176] {strides = array<i32>} : memref<3x128x128xf32, #tpu.memory_space<vmem>>, vector<1x1x16xf32>,
          %parallel_loop3A_178 = vector.shape_cast %parallel_loop3A_177 : vector<1x1x16xf32> to vector<16xf32>
          %parallel_loop3A_179 = arith.subf %parallel_loop3A_178, %mul3A_130 : vector<16xf32>
          %parallel_loop3A_180 = arith.constant 0.000000e+00 : f32
          %parallel_loop3A_181 = vector.broadcast %parallel_loop3A_180 : f32 to vector<16xf32>
          %parallel_loop3A_182 = arith.maximumf %parallel_loop3A_179, %parallel_loop3A_181 : vector<16xf32>
          %parallel_loop3A_183 = arith.addf %parallel_loop3A_146, %parallel_loop3A_182 : vector<16xf32>
          %parallel_loop3A_184 = arith.constant 3 : i32
          %parallel_loop3A_185 = arith.addi %parallel_loop3A_143, %parallel_loop3A_184 : i32
          %parallel_loop3A_186 = arith.index_cast %rem3A_30 : i32 to index
          %parallel_loop3A_187 = arith.index_cast %parallel_loop3A_185 : i32 to index
          %parallel_loop3A_188 = arith.index_cast %mul3A_98 : i32 to index
          %parallel_loop3A_189 = tpu.vector_load %arg5[%parallel_loop3A_186, %parallel_loop3A_187, %parallel_loop3A_188] {strides = array<i32>} : memref<3x128x128xf32, #tpu.memory_space<vmem>>, vector<1x1x16xf32>,
          %parallel_loop3A_190 = vector.shape_cast %parallel_loop3A_189 : vector<1x1x16xf32> to vector<16xf32>
          %parallel_loop3A_191 = arith.subf %parallel_loop3A_190, %mul3A_130 : vector<16xf32>
          %parallel_loop3A_192 = arith.constant 0.000000e+00 : f32
          %parallel_loop3A_193 = vector.broadcast %parallel_loop3A_192 : f32 to vector<16xf32>
          %parallel_loop3A_194 = arith.maximumf %parallel_loop3A_191, %parallel_loop3A_193 : vector<16xf32>
          %parallel_loop3A_195 = arith.addf %parallel_loop3A_147, %parallel_loop3A_194 : vector<16xf32>
          %parallel_loop3A_196 = arith.constant 4 : i32
          %parallel_loop3A_197 = arith.addi %parallel_loop3A_143, %parallel_loop3A_196 : i32
          %parallel_loop3A_198 = arith.index_cast %rem3A_30 : i32 to index
          %parallel_loop3A_199 = arith.index_cast %parallel_loop3A_197 : i32 to index
          %parallel_loop3A_200 = arith.index_cast %mul3A_98 : i32 to index
          %parallel_loop3A_201 = tpu.vector_load %arg5[%parallel_loop3A_198, %parallel_loop3A_199, %parallel_loop3A_200] {strides = array<i32>} : memref<3x128x128xf32, #tpu.memory_space<vmem>>, vector<1x1x16xf32>,
          %parallel_loop3A_202 = vector.shape_cast %parallel_loop3A_201 : vector<1x1x16xf32> to vector<16xf32>
          %parallel_loop3A_203 = arith.subf %parallel_loop3A_202, %mul3A_130 : vector<16xf32>
          %parallel_loop3A_204 = arith.constant 0.000000e+00 : f32
          %parallel_loop3A_205 = vector.broadcast %parallel_loop3A_204 : f32 to vector<16xf32>
          %parallel_loop3A_206 = arith.maximumf %parallel_loop3A_203, %parallel_loop3A_205 : vector<16xf32>
          %parallel_loop3A_207 = arith.addf %parallel_loop3A_159, %parallel_loop3A_206 : vector<16xf32>
          %parallel_loop3A_208 = arith.constant 5 : i32
          %parallel_loop3A_209 = arith.addi %parallel_loop3A_143, %parallel_loop3A_208 : i32
          %parallel_loop3A_210 = arith.index_cast %rem3A_30 : i32 to index
          %parallel_loop3A_211 = arith.index_cast %parallel_loop3A_209 : i32 to index
          %parallel_loop3A_212 = arith.index_cast %mul3A_98 : i32 to index
          %parallel_loop3A_213 = tpu.vector_load %arg5[%parallel_loop3A_210, %parallel_loop3A_211, %parallel_loop3A_212] {strides = array<i32>} : memref<3x128x128xf32, #tpu.memory_space<vmem>>, vector<1x1x16xf32>,
          %parallel_loop3A_214 = vector.shape_cast %parallel_loop3A_213 : vector<1x1x16xf32> to vector<16xf32>
          %parallel_loop3A_215 = arith.subf %parallel_loop3A_214, %mul3A_130 : vector<16xf32>
          %parallel_loop3A_216 = arith.constant 0.000000e+00 : f32
          %parallel_loop3A_217 = vector.broadcast %parallel_loop3A_216 : f32 to vector<16xf32>
          %parallel_loop3A_218 = arith.maximumf %parallel_loop3A_215, %parallel_loop3A_217 : vector<16xf32>
          %parallel_loop3A_219 = arith.addf %parallel_loop3A_171, %parallel_loop3A_218 : vector<16xf32>
          %parallel_loop3A_220 = arith.constant 6 : i32
          %parallel_loop3A_221 = arith.addi %parallel_loop3A_143, %parallel_loop3A_220 : i32
          %parallel_loop3A_222 = arith.index_cast %rem3A_30 : i32 to index
          %parallel_loop3A_223 = arith.index_cast %parallel_loop3A_221 : i32 to index
          %parallel_loop3A_224 = arith.index_cast %mul3A_98 : i32 to index
          %parallel_loop3A_225 = tpu.vector_load %arg5[%parallel_loop3A_222, %parallel_loop3A_223, %parallel_loop3A_224] {strides = array<i32>} : memref<3x128x128xf32, #tpu.memory_space<vmem>>, vector<1x1x16xf32>,
          %parallel_loop3A_226 = vector.shape_cast %parallel_loop3A_225 : vector<1x1x16xf32> to vector<16xf32>
          %parallel_loop3A_227 = arith.subf %parallel_loop3A_226, %mul3A_130 : vector<16xf32>
          %parallel_loop3A_228 = arith.constant 0.000000e+00 : f32
          %parallel_loop3A_229 = vector.broadcast %parallel_loop3A_228 : f32 to vector<16xf32>
          %parallel_loop3A_230 = arith.maximumf %parallel_loop3A_227, %parallel_loop3A_229 : vector<16xf32>
          %parallel_loop3A_231 = arith.addf %parallel_loop3A_183, %parallel_loop3A_230 : vector<16xf32>
          %parallel_loop3A_232 = arith.constant 7 : i32
          %parallel_loop3A_233 = arith.addi %parallel_loop3A_143, %parallel_loop3A_232 : i32
          %parallel_loop3A_234 = arith.index_cast %rem3A_30 : i32 to index
          %parallel_loop3A_235 = arith.index_cast %parallel_loop3A_233 : i32 to index
          %parallel_loop3A_236 = arith.index_cast %mul3A_98 : i32 to index
          %parallel_loop3A_237 = tpu.vector_load %arg5[%parallel_loop3A_234, %parallel_loop3A_235, %parallel_loop3A_236] {strides = array<i32>} : memref<3x128x128xf32, #tpu.memory_space<vmem>>, vector<1x1x16xf32>,
          %parallel_loop3A_238 = vector.shape_cast %parallel_loop3A_237 : vector<1x1x16xf32> to vector<16xf32>
          %parallel_loop3A_239 = arith.subf %parallel_loop3A_238, %mul3A_130 : vector<16xf32>
          %parallel_loop3A_240 = arith.constant 0.000000e+00 : f32
          %parallel_loop3A_241 = vector.broadcast %parallel_loop3A_240 : f32 to vector<16xf32>
          %parallel_loop3A_242 = arith.maximumf %parallel_loop3A_239, %parallel_loop3A_241 : vector<16xf32>
          %parallel_loop3A_243 = arith.addf %parallel_loop3A_195, %parallel_loop3A_242 : vector<16xf32>
          %parallel_loop3A_244 = arith.constant 8 : i32
          %parallel_loop3A_245 = arith.addi %parallel_loop3A_143, %parallel_loop3A_244 : i32
          %parallel_loop3A_246 = arith.index_cast %rem3A_30 : i32 to index
          %parallel_loop3A_247 = arith.index_cast %parallel_loop3A_245 : i32 to index
          %parallel_loop3A_248 = arith.index_cast %mul3A_98 : i32 to index
          %parallel_loop3A_249 = tpu.vector_load %arg5[%parallel_loop3A_246, %parallel_loop3A_247, %parallel_loop3A_248] {strides = array<i32>} : memref<3x128x128xf32, #tpu.memory_space<vmem>>, vector<1x1x16xf32>,
          %parallel_loop3A_250 = vector.shape_cast %parallel_loop3A_249 : vector<1x1x16xf32> to vector<16xf32>
          %parallel_loop3A_251 = arith.subf %parallel_loop3A_250, %mul3A_130 : vector<16xf32>
          %parallel_loop3A_252 = arith.constant 0.000000e+00 : f32
          %parallel_loop3A_253 = vector.broadcast %parallel_loop3A_252 : f32 to vector<16xf32>
          %parallel_loop3A_254 = arith.maximumf %parallel_loop3A_251, %parallel_loop3A_253 : vector<16xf32>
          %parallel_loop3A_255 = arith.addf %parallel_loop3A_207, %parallel_loop3A_254 : vector<16xf32>
          %parallel_loop3A_256 = arith.constant 9 : i32
          %parallel_loop3A_257 = arith.addi %parallel_loop3A_143, %parallel_loop3A_256 : i32
          %parallel_loop3A_258 = arith.index_cast %rem3A_30 : i32 to index
          %parallel_loop3A_259 = arith.index_cast %parallel_loop3A_257 : i32 to index
          %parallel_loop3A_260 = arith.index_cast %mul3A_98 : i32 to index
          %parallel_loop3A_261 = tpu.vector_load %arg5[%parallel_loop3A_258, %parallel_loop3A_259, %parallel_loop3A_260] {strides = array<i32>} : memref<3x128x128xf32, #tpu.memory_space<vmem>>, vector<1x1x16xf32>,
          %parallel_loop3A_262 = vector.shape_cast %parallel_loop3A_261 : vector<1x1x16xf32> to vector<16xf32>
          %parallel_loop3A_263 = arith.subf %parallel_loop3A_262, %mul3A_130 : vector<16xf32>
          %parallel_loop3A_264 = arith.constant 0.000000e+00 : f32
          %parallel_loop3A_265 = vector.broadcast %parallel_loop3A_264 : f32 to vector<16xf32>
          %parallel_loop3A_266 = arith.maximumf %parallel_loop3A_263, %parallel_loop3A_265 : vector<16xf32>
          %parallel_loop3A_267 = arith.addf %parallel_loop3A_219, %parallel_loop3A_266 : vector<16xf32>
          %parallel_loop3A_268 = arith.constant 10 : i32
          %parallel_loop3A_269 = arith.addi %parallel_loop3A_143, %parallel_loop3A_268 : i32
          %parallel_loop3A_270 = arith.index_cast %rem3A_30 : i32 to index
          %parallel_loop3A_271 = arith.index_cast %parallel_loop3A_269 : i32 to index
          %parallel_loop3A_272 = arith.index_cast %mul3A_98 : i32 to index
          %parallel_loop3A_273 = tpu.vector_load %arg5[%parallel_loop3A_270, %parallel_loop3A_271, %parallel_loop3A_272] {strides = array<i32>} : memref<3x128x128xf32, #tpu.memory_space<vmem>>, vector<1x1x16xf32>,
          %parallel_loop3A_274 = vector.shape_cast %parallel_loop3A_273 : vector<1x1x16xf32> to vector<16xf32>
          %parallel_loop3A_275 = arith.subf %parallel_loop3A_274, %mul3A_130 : vector<16xf32>
          %parallel_loop3A_276 = arith.constant 0.000000e+00 : f32
          %parallel_loop3A_277 = vector.broadcast %parallel_loop3A_276 : f32 to vector<16xf32>
          %parallel_loop3A_278 = arith.maximumf %parallel_loop3A_275, %parallel_loop3A_277 : vector<16xf32>
          %parallel_loop3A_279 = arith.addf %parallel_loop3A_231, %parallel_loop3A_278 : vector<16xf32>
          %parallel_loop3A_280 = arith.constant 11 : i32
          %parallel_loop3A_281 = arith.addi %parallel_loop3A_143, %parallel_loop3A_280 : i32
          %parallel_loop3A_282 = arith.index_cast %rem3A_30 : i32 to index
          %parallel_loop3A_283 = arith.index_cast %parallel_loop3A_281 : i32 to index
          %parallel_loop3A_284 = arith.index_cast %mul3A_98 : i32 to index
          %parallel_loop3A_285 = tpu.vector_load %arg5[%parallel_loop3A_282, %parallel_loop3A_283, %parallel_loop3A_284] {strides = array<i32>} : memref<3x128x128xf32, #tpu.memory_space<vmem>>, vector<1x1x16xf32>,
          %parallel_loop3A_286 = vector.shape_cast %parallel_loop3A_285 : vector<1x1x16xf32> to vector<16xf32>
          %parallel_loop3A_287 = arith.subf %parallel_loop3A_286, %mul3A_130 : vector<16xf32>
          %parallel_loop3A_288 = arith.constant 0.000000e+00 : f32
          %parallel_loop3A_289 = vector.broadcast %parallel_loop3A_288 : f32 to vector<16xf32>
          %parallel_loop3A_290 = arith.maximumf %parallel_loop3A_287, %parallel_loop3A_289 : vector<16xf32>
          %parallel_loop3A_291 = arith.addf %parallel_loop3A_243, %parallel_loop3A_290 : vector<16xf32>
          %parallel_loop3A_292 = arith.constant 12 : i32
          %parallel_loop3A_293 = arith.addi %parallel_loop3A_143, %parallel_loop3A_292 : i32
          %parallel_loop3A_294 = arith.index_cast %rem3A_30 : i32 to index
          %parallel_loop3A_295 = arith.index_cast %parallel_loop3A_293 : i32 to index
          %parallel_loop3A_296 = arith.index_cast %mul3A_98 : i32 to index
          %parallel_loop3A_297 = tpu.vector_load %arg5[%parallel_loop3A_294, %parallel_loop3A_295, %parallel_loop3A_296] {strides = array<i32>} : memref<3x128x128xf32, #tpu.memory_space<vmem>>, vector<1x1x16xf32>,
          %parallel_loop3A_298 = vector.shape_cast %parallel_loop3A_297 : vector<1x1x16xf32> to vector<16xf32>
          %parallel_loop3A_299 = arith.subf %parallel_loop3A_298, %mul3A_130 : vector<16xf32>
          %parallel_loop3A_300 = arith.constant 0.000000e+00 : f32
          %parallel_loop3A_301 = vector.broadcast %parallel_loop3A_300 : f32 to vector<16xf32>
          %parallel_loop3A_302 = arith.maximumf %parallel_loop3A_299, %parallel_loop3A_301 : vector<16xf32>
          %parallel_loop3A_303 = arith.addf %parallel_loop3A_255, %parallel_loop3A_302 : vector<16xf32>
          %parallel_loop3A_304 = arith.constant 13 : i32
          %parallel_loop3A_305 = arith.addi %parallel_loop3A_143, %parallel_loop3A_304 : i32
          %parallel_loop3A_306 = arith.index_cast %rem3A_30 : i32 to index
          %parallel_loop3A_307 = arith.index_cast %parallel_loop3A_305 : i32 to index
          %parallel_loop3A_308 = arith.index_cast %mul3A_98 : i32 to index
          %parallel_loop3A_309 = tpu.vector_load %arg5[%parallel_loop3A_306, %parallel_loop3A_307, %parallel_loop3A_308] {strides = array<i32>} : memref<3x128x128xf32, #tpu.memory_space<vmem>>, vector<1x1x16xf32>,
          %parallel_loop3A_310 = vector.shape_cast %parallel_loop3A_309 : vector<1x1x16xf32> to vector<16xf32>
          %parallel_loop3A_311 = arith.subf %parallel_loop3A_310, %mul3A_130 : vector<16xf32>
          %parallel_loop3A_312 = arith.constant 0.000000e+00 : f32
          %parallel_loop3A_313 = vector.broadcast %parallel_loop3A_312 : f32 to vector<16xf32>
          %parallel_loop3A_314 = arith.maximumf %parallel_loop3A_311, %parallel_loop3A_313 : vector<16xf32>
          %parallel_loop3A_315 = arith.addf %parallel_loop3A_267, %parallel_loop3A_314 : vector<16xf32>
          %parallel_loop3A_316 = arith.constant 14 : i32
          %parallel_loop3A_317 = arith.addi %parallel_loop3A_143, %parallel_loop3A_316 : i32
          %parallel_loop3A_318 = arith.index_cast %rem3A_30 : i32 to index
          %parallel_loop3A_319 = arith.index_cast %parallel_loop3A_317 : i32 to index
          %parallel_loop3A_320 = arith.index_cast %mul3A_98 : i32 to index
          %parallel_loop3A_321 = tpu.vector_load %arg5[%parallel_loop3A_318, %parallel_loop3A_319, %parallel_loop3A_320] {strides = array<i32>} : memref<3x128x128xf32, #tpu.memory_space<vmem>>, vector<1x1x16xf32>,
          %parallel_loop3A_322 = vector.shape_cast %parallel_loop3A_321 : vector<1x1x16xf32> to vector<16xf32>
          %parallel_loop3A_323 = arith.subf %parallel_loop3A_322, %mul3A_130 : vector<16xf32>
          %parallel_loop3A_324 = arith.constant 0.000000e+00 : f32
          %parallel_loop3A_325 = vector.broadcast %parallel_loop3A_324 : f32 to vector<16xf32>
          %parallel_loop3A_326 = arith.maximumf %parallel_loop3A_323, %parallel_loop3A_325 : vector<16xf32>
          %parallel_loop3A_327 = arith.addf %parallel_loop3A_279, %parallel_loop3A_326 : vector<16xf32>
          %parallel_loop3A_328 = arith.constant 15 : i32
          %parallel_loop3A_329 = arith.addi %parallel_loop3A_143, %parallel_loop3A_328 : i32
          %parallel_loop3A_330 = arith.index_cast %rem3A_30 : i32 to index
          %parallel_loop3A_331 = arith.index_cast %parallel_loop3A_329 : i32 to index
          %parallel_loop3A_332 = arith.index_cast %mul3A_98 : i32 to index
          %parallel_loop3A_333 = tpu.vector_load %arg5[%parallel_loop3A_330, %parallel_loop3A_331, %parallel_loop3A_332] {strides = array<i32>} : memref<3x128x128xf32, #tpu.memory_space<vmem>>, vector<1x1x16xf32>,
          %parallel_loop3A_334 = vector.shape_cast %parallel_loop3A_333 : vector<1x1x16xf32> to vector<16xf32>
          %parallel_loop3A_335 = arith.subf %parallel_loop3A_334, %mul3A_130 : vector<16xf32>
          %parallel_loop3A_336 = arith.constant 0.000000e+00 : f32
          %parallel_loop3A_337 = vector.broadcast %parallel_loop3A_336 : f32 to vector<16xf32>
          %parallel_loop3A_338 = arith.maximumf %parallel_loop3A_335, %parallel_loop3A_337 : vector<16xf32>
          %parallel_loop3A_339 = arith.addf %parallel_loop3A_291, %parallel_loop3A_338 : vector<16xf32>
          scf.yield %parallel_loop3A_303, %parallel_loop3A_315, %parallel_loop3A_327, %parallel_loop3A_339 : vector<16xf32>, vector<16xf32>, vector<16xf32>, vector<16xf32>
        } {sc.loop_unroll_factor = 1 : i64, sc.parallel_access}
        %add3A_137 = arith.addf %parallel_loop3A_136#0, %parallel_loop3A_136#1 : vector<16xf32>
        %add3A_138 = arith.addf %parallel_loop3A_136#2, %parallel_loop3A_136#3 : vector<16xf32>
        %add3A_139 = arith.addf %add3A_137, %add3A_138 : vector<16xf32>
        %gt3A = arith.constant 1.000000e+00 : f32
        %gt3A_140 = vector.broadcast %gt3A : f32 to vector<16xf32>
        %gt3A_141 = arith.cmpf ogt, %add3A_139, %gt3A_140 : vector<16xf32>
        %select_n3A = arith.select %gt3A_141, %mul3A_130, %scan3A_125 : vector<16xi1>, vector<16xf32>
        %select_n3A_142 = arith.select %gt3A_141, %scan3A_126, %mul3A_130 : vector<16xi1>, vector<16xf32>
        scf.yield %select_n3A, %select_n3A_142 : vector<16xf32>, vector<16xf32>
      }
      %scan3A_115 = arith.constant 8 : i32
      %add3A_116 = arith.addf %scan3A_114#0, %scan3A_114#1 : vector<16xf32>
      %mul3A_117 = arith.constant 5.000000e-01 : f32
      %mul3A_118 = vector.broadcast %mul3A_117 : f32 to vector<16xf32>
      %mul3A_119 = arith.mulf %mul3A_118, %add3A_116 : vector<16xf32>
      %parallel_loop3A_120 = arith.constant 0 : i32
      %parallel_loop3A_121 = arith.constant 128 : i32
      %parallel_loop3A_122 = arith.constant 1 : i32
      scf.for %parallel_loop3A_124 = %parallel_loop3A_120 to %parallel_loop3A_121 step %parallel_loop3A_122  : i32 {
        %parallel_loop3A_125 = arith.index_cast %rem3A_30 : i32 to index
        %parallel_loop3A_126 = arith.index_cast %parallel_loop3A_124 : i32 to index
        %parallel_loop3A_127 = arith.index_cast %mul3A_98 : i32 to index
        %parallel_loop3A_128 = tpu.vector_load %arg5[%parallel_loop3A_125, %parallel_loop3A_126, %parallel_loop3A_127] {strides = array<i32>} : memref<3x128x128xf32, #tpu.memory_space<vmem>>, vector<1x1x16xf32>,
        %parallel_loop3A_129 = vector.shape_cast %parallel_loop3A_128 : vector<1x1x16xf32> to vector<16xf32>
        %parallel_loop3A_130 = arith.subf %parallel_loop3A_129, %mul3A_119 : vector<16xf32>
        %parallel_loop3A_131 = arith.constant 0.000000e+00 : f32
        %parallel_loop3A_132 = vector.broadcast %parallel_loop3A_131 : f32 to vector<16xf32>
        %parallel_loop3A_133 = arith.maximumf %parallel_loop3A_130, %parallel_loop3A_132 : vector<16xf32>
        %parallel_loop3A_134 = arith.mulf %div3A_11, %parallel_loop3A_133 : vector<16xf32>
        %parallel_loop3A_135 = math.exp %parallel_loop3A_134 : vector<16xf32>
        %parallel_loop3A_136 = arith.index_cast %rem3A_30 : i32 to index
        %parallel_loop3A_137 = arith.index_cast %parallel_loop3A_124 : i32 to index
        %parallel_loop3A_138 = arith.index_cast %mul3A_98 : i32 to index
        %parallel_loop3A_139 = tpu.vector_load %arg5[%parallel_loop3A_136, %parallel_loop3A_137, %parallel_loop3A_138] {strides = array<i32>} : memref<3x128x128xf32, #tpu.memory_space<vmem>>, vector<1x1x16xf32>,
        %parallel_loop3A_140 = vector.shape_cast %parallel_loop3A_139 : vector<1x1x16xf32> to vector<16xf32>
        %parallel_loop3A_141 = vector.shape_cast %parallel_loop3A_135 : vector<16xf32> to vector<1x1x16xf32>
        tpu.vector_store %arg5[%parallel_loop3A_136, %parallel_loop3A_137, %parallel_loop3A_138], %parallel_loop3A_141 {strides = array<i32>} : memref<3x128x128xf32, #tpu.memory_space<vmem>>, vector<1x1x16xf32>,
      } {sc.loop_unroll_factor = 8 : i64, sc.parallel_access}
      %scan3A_123 = arith.constant 0 : i32
      scf.yield %scan3A_123 : i32
    }
    %scan3A_53 = arith.constant 8 : i32
    %mul3A_54 = arith.constant 128 : i32
    %mul3A_55 = arith.muli %scan3A_29, %mul3A_54 : i32
    %add3A_56 = arith.addi %mul3A_2, %mul3A_55 : i32
    %dma_start3A_57 = arith.constant 0 : i32
    %dma_start3A_58 = arith.constant 0 : i32
    %dma_start3A_59 = tpu.memref_slice %arg5[%rem3A_30, %dma_start3A_57, %dma_start3A_58] : memref<3x128x128xf32, #tpu.memory_space<vmem>> -> memref<1x128x128xf32, #tpu.memory_space<vmem>>
    %dma_start3A_60 = tpu.memref_squeeze %dma_start3A_59 : memref<1x128x128xf32, #tpu.memory_space<vmem>> -> memref<128x128xf32, #tpu.memory_space<vmem>>
    %dma_start3A_61 = arith.constant 0 : i32
    %dma_start3A_62 = tpu.memref_slice %arg4[%dma_start3A_61, %add3A_56] : memref<128x4096xf32, #tpu.memory_space<hbm>> -> memref<128x128xf32, #tpu.memory_space<hbm>>
    %dma_start3A_63 = tpu.memref_slice %arg8[%rem3A_30] : memref<3x!tpu.dma_semaphore, #tpu.memory_space<semaphore_mem>> -> memref<1x!tpu.dma_semaphore, #tpu.memory_space<semaphore_mem>>
    %dma_start3A_64 = tpu.memref_squeeze %dma_start3A_63 : memref<1x!tpu.dma_semaphore, #tpu.memory_space<semaphore_mem>> -> memref<!tpu.dma_semaphore, #tpu.memory_space<semaphore_mem>>
    %dma_start3A_65 = arith.constant 0 : i32
    %dma_start3A_66 = tpu.memref_slice %arg4[%dma_start3A_65, %add3A_56] : memref<128x4096xf32, #tpu.memory_space<hbm>> -> memref<128x128xf32, #tpu.memory_space<hbm>>
    %dma_start3A_67 = arith.constant 0 : i32
    %dma_start3A_68 = arith.constant 0 : i32
    %dma_start3A_69 = tpu.memref_slice %arg5[%rem3A_30, %dma_start3A_67, %dma_start3A_68] : memref<3x128x128xf32, #tpu.memory_space<vmem>> -> memref<1x128x128xf32, #tpu.memory_space<vmem>>
    %dma_start3A_70 = tpu.memref_squeeze %dma_start3A_69 : memref<1x128x128xf32, #tpu.memory_space<vmem>> -> memref<128x128xf32, #tpu.memory_space<vmem>>
    tpu.enqueue_dma source(%dma_start3A_70 : memref<128x128xf32, #tpu.memory_space<vmem>>) target(%dma_start3A_66 : memref<128x128xf32, #tpu.memory_space<hbm>>) target_semaphore(%dma_start3A_64 : memref<!tpu.dma_semaphore, #tpu.memory_space<semaphore_mem>>)
    %add3A_71 = arith.constant 2 : i32
    %add3A_72 = arith.addi %scan3A_29, %add3A_71 : i32
    %lt3A = arith.constant 1 : i32
    %lt3A_73 = arith.cmpi slt, %add3A_72, %lt3A : i32
    %convert_element_type3A = arith.extui %lt3A_73 : i1 to i32
    %cond3A = arith.constant 0 : i32
    %cond3A_74 = arith.cmpi ne, %convert_element_type3A, %cond3A : i32
    scf.if %cond3A_74 {
      %add3A_95 = arith.constant 2 : i32
      %add3A_96 = arith.addi %scan3A_29, %add3A_95 : i32
      %rem3A_97 = arith.constant 3 : i32
      %rem3A_98 = arith.remsi %add3A_96, %rem3A_97 : i32
      %ge3A = arith.constant 1 : i32
      %ge3A_99 = arith.cmpi sge, %scan3A_29, %ge3A : i32
      %convert_element_type3A_100 = arith.extui %ge3A_99 : i1 to i32
      %cond3A_101 = arith.constant 0 : i32
      %cond3A_102 = arith.cmpi ne, %convert_element_type3A_100, %cond3A_101 : i32
      scf.if %cond3A_102 {
        %sub3A = arith.constant 1 : i32
        %sub3A_122 = arith.subi %scan3A_29, %sub3A : i32
        %mul3A_123 = arith.constant 128 : i32
        %mul3A_124 = arith.muli %sub3A_122, %mul3A_123 : i32
        %add3A_125 = arith.addi %mul3A_2, %mul3A_124 : i32
        %dma_wait3A_126 = arith.constant 0 : i32
        %dma_wait3A_127 = arith.constant 0 : i32
        %dma_wait3A_128 = tpu.memref_slice %arg5[%rem3A_98, %dma_wait3A_126, %dma_wait3A_127] : memref<3x128x128xf32, #tpu.memory_space<vmem>> -> memref<1x128x128xf32, #tpu.memory_space<vmem>>
        %dma_wait3A_129 = tpu.memref_squeeze %dma_wait3A_128 : memref<1x128x128xf32, #tpu.memory_space<vmem>> -> memref<128x128xf32, #tpu.memory_space<vmem>>
        %dma_wait3A_130 = arith.constant 0 : i32
        %dma_wait3A_131 = tpu.memref_slice %arg4[%dma_wait3A_130, %add3A_125] : memref<128x4096xf32, #tpu.memory_space<hbm>> -> memref<128x128xf32, #tpu.memory_space<hbm>>
        %dma_wait3A_132 = tpu.memref_slice %arg8[%rem3A_98] : memref<3x!tpu.dma_semaphore, #tpu.memory_space<semaphore_mem>> -> memref<1x!tpu.dma_semaphore, #tpu.memory_space<semaphore_mem>>
        %dma_wait3A_133 = tpu.memref_squeeze %dma_wait3A_132 : memref<1x!tpu.dma_semaphore, #tpu.memory_space<semaphore_mem>> -> memref<!tpu.dma_semaphore, #tpu.memory_space<semaphore_mem>>
        %dma_wait3A_134 = arith.constant 0 : i32
        %dma_wait3A_135 = tpu.memref_slice %arg4[%dma_wait3A_134, %add3A_125] : memref<128x4096xf32, #tpu.memory_space<hbm>> -> memref<128x128xf32, #tpu.memory_space<hbm>>
        %dma_wait3A_136 = arith.constant 0 : i32
        %dma_wait3A_137 = arith.constant 0 : i32
        %dma_wait3A_138 = tpu.memref_slice %arg5[%rem3A_98, %dma_wait3A_136, %dma_wait3A_137] : memref<3x128x128xf32, #tpu.memory_space<vmem>> -> memref<1x128x128xf32, #tpu.memory_space<vmem>>
        %dma_wait3A_139 = tpu.memref_squeeze %dma_wait3A_138 : memref<1x128x128xf32, #tpu.memory_space<vmem>> -> memref<128x128xf32, #tpu.memory_space<vmem>>
        tpu.wait_dma2 semaphore(%dma_wait3A_133 : memref<!tpu.dma_semaphore, #tpu.memory_space<semaphore_mem>>) src(%dma_wait3A_139 : memref<128x128xf32, #tpu.memory_space<vmem>>) dst(%dma_wait3A_135 : memref<128x128xf32, #tpu.memory_space<hbm>>)
      } else {
      }
      %add3A_103 = arith.constant 2 : i32
      %add3A_104 = arith.addi %scan3A_29, %add3A_103 : i32
      %mul3A_105 = arith.constant 128 : i32
      %mul3A_106 = arith.muli %add3A_104, %mul3A_105 : i32
      %add3A_107 = arith.addi %mul3A_2, %mul3A_106 : i32
      %dma_start3A_108 = arith.constant 0 : i32
      %dma_start3A_109 = arith.constant 0 : i32
      %dma_start3A_110 = tpu.memref_slice %arg5[%rem3A_98, %dma_start3A_108, %dma_start3A_109] : memref<3x128x128xf32, #tpu.memory_space<vmem>> -> memref<1x128x128xf32, #tpu.memory_space<vmem>>
      %dma_start3A_111 = tpu.memref_squeeze %dma_start3A_110 : memref<1x128x128xf32, #tpu.memory_space<vmem>> -> memref<128x128xf32, #tpu.memory_space<vmem>>
      %dma_start3A_112 = arith.constant 0 : i32
      %dma_start3A_113 = tpu.memref_slice %arg2[%dma_start3A_112, %add3A_107] : memref<128x32768xf32, #tpu.memory_space<hbm>> -> memref<128x128xf32, #tpu.memory_space<hbm>>
      %dma_start3A_114 = tpu.memref_slice %arg7[%rem3A_98] : memref<3x!tpu.dma_semaphore, #tpu.memory_space<semaphore_mem>> -> memref<1x!tpu.dma_semaphore, #tpu.memory_space<semaphore_mem>>
      %dma_start3A_115 = tpu.memref_squeeze %dma_start3A_114 : memref<1x!tpu.dma_semaphore, #tpu.memory_space<semaphore_mem>> -> memref<!tpu.dma_semaphore, #tpu.memory_space<semaphore_mem>>
      %dma_start3A_116 = arith.constant 0 : i32
      %dma_start3A_117 = arith.constant 0 : i32
      %dma_start3A_118 = tpu.memref_slice %arg5[%rem3A_98, %dma_start3A_116, %dma_start3A_117] : memref<3x128x128xf32, #tpu.memory_space<vmem>> -> memref<1x128x128xf32, #tpu.memory_space<vmem>>
      %dma_start3A_119 = tpu.memref_squeeze %dma_start3A_118 : memref<1x128x128xf32, #tpu.memory_space<vmem>> -> memref<128x128xf32, #tpu.memory_space<vmem>>
      %dma_start3A_120 = arith.constant 0 : i32
      %dma_start3A_121 = tpu.memref_slice %arg2[%dma_start3A_120, %add3A_107] : memref<128x32768xf32, #tpu.memory_space<hbm>> -> memref<128x128xf32, #tpu.memory_space<hbm>>
      tpu.enqueue_dma source(%dma_start3A_121 : memref<128x128xf32, #tpu.memory_space<hbm>>) target(%dma_start3A_119 : memref<128x128xf32, #tpu.memory_space<vmem>>) target_semaphore(%dma_start3A_115 : memref<!tpu.dma_semaphore, #tpu.memory_space<semaphore_mem>>)
    } else {
    }
    %scan3A_75 = arith.constant 0 : i32
    %scan3A_76 = arith.constant 1 : i32
    %add3A_77 = arith.constant 0 : i32
    %add3A_78 = arith.addi %mul3A_2, %add3A_77 : i32
    %dma_wait3A_79 = arith.constant 0 : i32
    %dma_wait3A_80 = arith.constant 0 : i32
    %dma_wait3A_81 = arith.constant 0 : i32
    %dma_wait3A_82 = arith.constant 0 : i32
    %dma_wait3A_83 = tpu.memref_slice %arg5[%dma_wait3A_79, %dma_wait3A_81, %dma_wait3A_82] : memref<3x128x128xf32, #tpu.memory_space<vmem>> -> memref<1x128x128xf32, #tpu.memory_space<vmem>>
    %dma_wait3A_84 = tpu.memref_squeeze %dma_wait3A_83 : memref<1x128x128xf32, #tpu.memory_space<vmem>> -> memref<128x128xf32, #tpu.memory_space<vmem>>
    %dma_wait3A_85 = arith.constant 0 : i32
    %dma_wait3A_86 = tpu.memref_slice %arg4[%dma_wait3A_85, %add3A_78] : memref<128x4096xf32, #tpu.memory_space<hbm>> -> memref<128x128xf32, #tpu.memory_space<hbm>>
    %dma_wait3A_87 = tpu.memref_slice %arg8[%dma_wait3A_80] : memref<3x!tpu.dma_semaphore, #tpu.memory_space<semaphore_mem>> -> memref<1x!tpu.dma_semaphore, #tpu.memory_space<semaphore_mem>>
    %dma_wait3A_88 = tpu.memref_squeeze %dma_wait3A_87 : memref<1x!tpu.dma_semaphore, #tpu.memory_space<semaphore_mem>> -> memref<!tpu.dma_semaphore, #tpu.memory_space<semaphore_mem>>
    %dma_wait3A_89 = arith.constant 0 : i32
    %dma_wait3A_90 = tpu.memref_slice %arg4[%dma_wait3A_89, %add3A_78] : memref<128x4096xf32, #tpu.memory_space<hbm>> -> memref<128x128xf32, #tpu.memory_space<hbm>>
    %dma_wait3A_91 = arith.constant 0 : i32
    %dma_wait3A_92 = arith.constant 0 : i32
    %dma_wait3A_93 = tpu.memref_slice %arg5[%dma_wait3A_79, %dma_wait3A_91, %dma_wait3A_92] : memref<3x128x128xf32, #tpu.memory_space<vmem>> -> memref<1x128x128xf32, #tpu.memory_space<vmem>>
    %dma_wait3A_94 = tpu.memref_squeeze %dma_wait3A_93 : memref<1x128x128xf32, #tpu.memory_space<vmem>> -> memref<128x128xf32, #tpu.memory_space<vmem>>
    tpu.wait_dma2 semaphore(%dma_wait3A_88 : memref<!tpu.dma_semaphore, #tpu.memory_space<semaphore_mem>>) src(%dma_wait3A_94 : memref<128x128xf32, #tpu.memory_space<vmem>>) dst(%dma_wait3A_90 : memref<128x128xf32, #tpu.memory_space<hbm>>)
    return
  }
}

module attributes {stable_mosaic.version = 14 : i64} {
  func.func @_tc_body(%arg0: i32, %arg1: memref<1xf32, #tpu.memory_space<smem>>, %arg2: memref<128x2048xf32, #tpu.memory_space<vmem>>, %arg3: memref<128x2048xf32, #tpu.memory_space<vmem>>) attributes {dimension_semantics = [#tpu.dimension_semantics<arbitrary>], iteration_bounds = array<i64: 14>, scalar_prefetch = 0 : i64, scratch_operands = 0 : i64, tpu.core_type = #tpu.core_type<tc>, window_params = [{transform_indices = @transform_0, window_bounds = array<i64: 1>}, {transform_indices = @transform_1, window_bounds = array<i64: 128, 2048>}, {transform_indices = @transform_2, window_bounds = array<i64: 128, 2048>}]} {
    %get3A = arith.constant 0 : index
    %get3A_0 = memref.load %arg1[%get3A] : memref<1xf32, #tpu.memory_space<smem>>
    %neg3A = arith.constant 0.000000e+00 : f32
    %neg3A_1 = arith.subf %neg3A, %get3A_0 : f32
    %exp3A = math.exp %neg3A_1 : f32
    %add3A = arith.constant 1.000000e+00 : f32
    %add3A_2 = arith.addf %add3A, %exp3A : f32
    %div3A = arith.constant -1.000000e+00 : f32
    %div3A_3 = arith.divf %div3A, %add3A_2 : f32
    %get3A_4 = arith.constant 0 : index
    %get3A_5 = arith.constant 0 : index
    %get3A_6 = vector.load %arg2[%get3A_4, %get3A_5] : memref<128x2048xf32, #tpu.memory_space<vmem>>, vector<128x2048xf32>
    %reduce_max3A = arith.constant dense<0xFF800000> : vector<2048xf32>
    %reduce_max3A_7 = vector.multi_reduction <maximumf>, %get3A_6, %reduce_max3A [0] : vector<128x2048xf32> to vector<2048xf32>
    %broadcast_in_dim3A = vector.shape_cast %reduce_max3A_7 : vector<2048xf32> to vector<1x2048xf32>
    %sub3A = arith.constant 1.000000e+00 : f32
    %sub3A_8 = vector.broadcast %sub3A : f32 to vector<1x2048xf32>
    %sub3A_9 = arith.subf %broadcast_in_dim3A, %sub3A_8 : vector<1x2048xf32>
    %sub3A_10 = arith.constant 7.812500e-03 : f32
    %sub3A_11 = vector.broadcast %sub3A_10 : f32 to vector<1x2048xf32>
    %sub3A_12 = arith.subf %broadcast_in_dim3A, %sub3A_11 : vector<1x2048xf32>
    %scan3A = arith.constant 0 : i32
    %scan3A_13 = arith.constant 8 : i32
    %scan3A_14 = arith.addi %scan3A, %scan3A_13 : i32
    %scan3A_15 = arith.constant 1 : i32
    %scan3A_16:2 = scf.for %scan3A_29 = %scan3A to %scan3A_14 step %scan3A_15 iter_args(%scan3A_30 = %sub3A_9, %scan3A_31 = %sub3A_12) -> (vector<1x2048xf32>, vector<1x2048xf32>)  : i32 {
      %add3A_32 = arith.addf %scan3A_30, %scan3A_31 : vector<1x2048xf32>
      %mul3A_33 = arith.constant 5.000000e-01 : f32
      %mul3A_34 = vector.broadcast %mul3A_33 : f32 to vector<1x2048xf32>
      %mul3A_35 = arith.mulf %mul3A_34, %add3A_32 : vector<1x2048xf32>
      %sub3A_36 = vector.broadcast %mul3A_35 : vector<1x2048xf32> to vector<128x2048xf32>
      %sub3A_37 = arith.subf %get3A_6, %sub3A_36 : vector<128x2048xf32>
      %max3A_38 = arith.constant 0.000000e+00 : f32
      %max3A_39 = vector.broadcast %max3A_38 : f32 to vector<128x2048xf32>
      %max3A_40 = arith.maximumf %sub3A_37, %max3A_39 : vector<128x2048xf32>
      %reduce_sum3A = arith.constant dense<0.000000e+00> : vector<2048xf32>
      %reduce_sum3A_41 = vector.multi_reduction <add>, %max3A_40, %reduce_sum3A [0] : vector<128x2048xf32> to vector<2048xf32>
      %broadcast_in_dim3A_42 = vector.shape_cast %reduce_sum3A_41 : vector<2048xf32> to vector<1x2048xf32>
      %gt3A = arith.constant 1.000000e+00 : f32
      %gt3A_43 = vector.broadcast %gt3A : f32 to vector<1x2048xf32>
      %gt3A_44 = arith.cmpf ogt, %broadcast_in_dim3A_42, %gt3A_43 : vector<1x2048xf32>
      %select_n3A = arith.select %gt3A_44, %mul3A_35, %scan3A_30 : vector<1x2048xi1>, vector<1x2048xf32>
      %select_n3A_45 = arith.select %gt3A_44, %scan3A_31, %mul3A_35 : vector<1x2048xi1>, vector<1x2048xf32>
      scf.yield %select_n3A, %select_n3A_45 : vector<1x2048xf32>, vector<1x2048xf32>
    }
    %add3A_17 = arith.addf %scan3A_16#0, %scan3A_16#1 : vector<1x2048xf32>
    %mul3A = arith.constant 5.000000e-01 : f32
    %mul3A_18 = vector.broadcast %mul3A : f32 to vector<1x2048xf32>
    %mul3A_19 = arith.mulf %mul3A_18, %add3A_17 : vector<1x2048xf32>
    %sub3A_20 = vector.broadcast %mul3A_19 : vector<1x2048xf32> to vector<128x2048xf32>
    %sub3A_21 = arith.subf %get3A_6, %sub3A_20 : vector<128x2048xf32>
    %max3A = arith.constant 0.000000e+00 : f32
    %max3A_22 = vector.broadcast %max3A : f32 to vector<128x2048xf32>
    %max3A_23 = arith.maximumf %sub3A_21, %max3A_22 : vector<128x2048xf32>
    %mul3A_24 = vector.broadcast %div3A_3 : f32 to vector<128x2048xf32>
    %mul3A_25 = arith.mulf %mul3A_24, %max3A_23 : vector<128x2048xf32>
    %exp3A_26 = math.exp %mul3A_25 : vector<128x2048xf32>
    %swap3A = arith.constant 0 : index
    %swap3A_27 = arith.constant 0 : index
    %swap3A_28 = vector.load %arg3[%swap3A, %swap3A_27] : memref<128x2048xf32, #tpu.memory_space<vmem>>, vector<128x2048xf32>
    tpu.vector_store %arg3[%swap3A, %swap3A_27], %exp3A_26 {strides = array<i32>} : memref<128x2048xf32, #tpu.memory_space<vmem>>, vector<128x2048xf32>,
    return
  }
  func.func @transform_0(%arg0: i32) -> i32 {
    %c0_i32 = arith.constant 0 : i32
    %c0_i32_0 = arith.constant 0 : i32
    return %c0_i32 : i32
  }
  func.func @transform_1(%arg0: i32) -> (i32, i32) {
    %add3A = arith.constant 2 : i32
    %add3A_0 = arith.addi %arg0, %add3A : i32
    %c0_i32 = arith.constant 0 : i32
    %c0_i32_1 = arith.constant 0 : i32
    return %c0_i32, %add3A_0 : i32, i32
  }
  func.func @transform_2(%arg0: i32) -> (i32, i32) {
    %add3A = arith.constant 2 : i32
    %add3A_0 = arith.addi %arg0, %add3A : i32
    %c0_i32 = arith.constant 0 : i32
    %c0_i32_1 = arith.constant 0 : i32
    return %c0_i32, %add3A_0 : i32, i32
  }
}

</mosaic_0001>

<sc_bundles>
// kernel: kernel.4.cloned.1.call-start
scs
__scs_entry_jumppad:
0x0: {  	(pc) =	sbr.rel $0x88, $3  }
0x1: {  	(tag) =	ssettag $0x0;
	lr =	simm.s32 $0x1  }
0x2: {  	[smem:$0x3F9F] =	sst lr;
	_ =	strace $0xD0000000  }
0x3: {  	_ = 	snop  }
0x4: {  	_ = 	snop  }
0x5: {  	_ = 	snop  }
0x6: {  	_ = 	snop  }
0x7: {  	_ = 	snop  }
__scs_overlays_trampoline_lowered:
0x8: {  	[smem:$0x3FAE] =	sst s0  }
0x9: {  	[smem:$0x3FAF] =	sst s1  }
0xa: {  	[smem:$0x3FB0] =	sst s2  }
0xb: {  	[smem:$0x3FB1] =	sst s3  }
0xc: {  	[smem:$0x3FB2] =	sst s4  }
0xd: {  	[smem:$0x3FB3] =	sst s5  }
0xe: {  	[smem:$0x3FB4] =	sst s6  }
0xf: {  	[smem:$0x3FB5] =	sst s7  }
0x10: {  	[smem:$0x3FB6] =	sst s8  }
0x11: {  	[smem:$0x3FB7] =	sst s9;
	s0 =	simm.s32 @!p0 $0x0  }
0x12: {  	s1 =	sld [smem:$0x3F9D];
	s0 =	simm.s32 @p0 $0x1  }
0x13: {  	[smem:$0x3FB8] =	sst s0;
	s0 =	simm.s32 @!p1 $0x0  }
0x14: {  	s2 =	sld [smem:$0x3F9C];
	s0 =	simm.s32 @p1 $0x1  }
0x15: {  	[smem:$0x3FB9] =	sst s0;
	s0 =	simm.s32 @!p2 $0x0  }
0x16: {  	s3 =	sld [smem:$0x3FDB];
	s0 =	simm.s32 @p2 $0x1  }
0x17: {  	s4 =	simm.s32 $0x1BF5;
	[smem:$0x3FBB] =	sst s0  }
0x18: {  	s0 =	sld [smem:$0x3F9E];
	_ =	swait.ge [sflag:s4], $0x0  }
0x19: {  	s7 =	sld [smem:$0x3F9F]  }
0x1a: {  	s8 =	sadd.s32 $0xFFFFE003, lr  }
0x1b: {  	s9 =	sadd.s32 $0xFFFFFEF7, lr;
	s5 =	simm.s32 $0xFFFFFFFF;
	p2 =	slt.u32 s8, $0xFFFFF086  }
0x1c: {  	p1 =	slt.u32 s9, $0xF7A;
	s5 =	simm.s32 @!p2 $0x0  }
0x1d: {  	s5 =	simm.s32 @p1 $0x1;
	p0 =	seq.s32 s7, s2  }
0x1e: {  	s7 =	smul.u32 @!p0 $0xF7A, s2;
	p2 =	seq.s32 @!p0 s5, $0x0  }
0x1f: {  	s9 =	smul.u32 $0xF7A, s1;
	s8 =	simm.s32 @!p0 $0x1BF5;
	p2 =	por !p2, p0  }
0x20: {  	[sflag:s8] =	ssyncset.s32 @!p0 $0xFFFFF086;
	s6 =	sadd.s32 @!p0 s3, s7;
	s7 =	simm.s32 @!p0 $0x108  }
0x21: {  	s3 =	sadd.s32 s3, s9;
	s6 =	sadd.s32 @!p0 $0x88, s6;
	s7 =	simm.s32 @p2 $0x1082  }
0x22: {  	[simem:s7], [sflag:s8] =	dma.local @!p0 [hbm:s6], $0xF7A  }
0x23: {  	s9 =	sor.u32 $0xD0000000, s2;
	s6 =	simm.s32 $0x108;
	_ =	swait.ge @!p0 [sflag:s8], $0x0  }
0x24: {  	s3 =	sadd.s32 $0x88, s3;
	s6 =	simm.s32 @!p1 $0x1082;
	[sflag:s4] =	ssyncset.s32 $0xFFFFF086  }
0x25: {  	[simem:s6], [sflag:s4] =	dma.local [hbm:s3], $0xF7A  }
0x26: {  	[smem:$0x3F9F] =	sst s1;
	(tag) =	ssettag s2;
	_ =	strace s9  }
0x27: {  	s1 =	sld [smem:$0x3FAF]  }
0x28: {  	s2 =	sld [smem:$0x3FB0]  }
0x29: {  	s4 =	sld [smem:$0x3FB2]  }
0x2a: {  	p0 =	seq.s32 s5, $0x0;
	s5 =	sld [smem:$0x3FB3]  }
0x2b: {  	s6 =	sld [smem:$0x3FB4]  }
0x2c: {  	s7 =	sld [smem:$0x3FB5]  }
0x2d: {  	s3 =	simm.s32 $0x108;
	s8 =	sld [smem:$0x3FB6]  }
0x2e: {  	s3 =	simm.s32 @!p0 $0x1082;
	s9 =	sld [smem:$0x3FB7]  }
0x2f: {  	lr =	sadd.s32 s0, s3;
	s0 =	sld [smem:$0x3FAE]  }
0x30: {  	s3 =	sld [smem:$0x3FB1]  }
0x31: {  	[smem:$0x3FBA] =	sst s10  }
0x32: {  	s10 =	sld [smem:$0x3FB8];
	_ =	sdelay $0x3  }
0x33: {  	p0 =	seq.s32 s10, $0x1;
	s10 =	sld [smem:$0x3FBA];
	_ =	sdelay $0x3  }
0x34: {  	[smem:$0x3FBA] =	sst s10  }
0x35: {  	s10 =	sld [smem:$0x3FB9];
	_ =	sdelay $0x3  }
0x36: {  	p1 =	seq.s32 s10, $0x1;
	s10 =	sld [smem:$0x3FBA];
	_ =	sdelay $0x3  }
0x37: {  	[smem:$0x3FBA] =	sst s10  }
0x38: {  	s10 =	sld [smem:$0x3FBB]  }
0x39: {  	_ = 	snop;
	(pc) =	sbr.ind lr, $3  }
0x3a: {  	_ = 	snop  }
0x3b: {  	_ = 	snop  }
0x3c: {  	p2 =	seq.s32 s10, $0x1;
	s10 =	sld [smem:$0x3FBA]  }
0x3d: {  	_ =	shalt  }
0x3e: {  	_ =	shalt  }
0x3f: {  	_ =	shalt  }
0x40: {  	_ =	shalt  }
0x41: {  	_ =	shalt  }
0x42: {  	_ =	shalt  }
0x43: {  	_ =	shalt  }
0x44: {  	_ =	shalt  }
0x45: {  	_ =	shalt  }
0x46: {  	_ =	shalt  }
0x47: {  	_ =	shalt  }
0x48: {  	_ =	shalt  }
0x49: {  	_ =	shalt  }
0x4a: {  	_ =	shalt  }
0x4b: {  	_ =	shalt  }
0x4c: {  	_ =	shalt  }
0x4d: {  	_ =	shalt  }
0x4e: {  	_ =	shalt  }
0x4f: {  	_ =	shalt  }
0x50: {  	_ =	shalt  }
0x51: {  	_ =	shalt  }
0x52: {  	_ =	shalt  }
0x53: {  	_ =	shalt  }
0x54: {  	_ =	shalt  }
0x55: {  	_ =	shalt  }
0x56: {  	_ =	shalt  }
0x57: {  	_ =	shalt  }
0x58: {  	_ =	shalt  }
0x59: {  	_ =	shalt  }
0x5a: {  	_ =	shalt  }
0x5b: {  	_ =	shalt  }
0x5c: {  	_ =	shalt  }
0x5d: {  	_ =	shalt  }
0x5e: {  	_ =	shalt  }
0x5f: {  	_ =	shalt  }
0x60: {  	_ =	shalt  }
0x61: {  	_ =	shalt  }
0x62: {  	_ =	shalt  }
0x63: {  	_ =	shalt  }
0x64: {  	_ =	shalt  }
0x65: {  	_ =	shalt  }
0x66: {  	_ =	shalt  }
0x67: {  	_ =	shalt  }
0x68: {  	_ =	shalt  }
0x69: {  	_ =	shalt  }
0x6a: {  	_ =	shalt  }
0x6b: {  	_ =	shalt  }
0x6c: {  	_ =	shalt  }
0x6d: {  	_ =	shalt  }
0x6e: {  	_ =	shalt  }
0x6f: {  	_ =	shalt  }
0x70: {  	_ =	shalt  }
0x71: {  	_ =	shalt  }
0x72: {  	_ =	shalt  }
0x73: {  	_ =	shalt  }
0x74: {  	_ =	shalt  }
0x75: {  	_ =	shalt  }
0x76: {  	_ =	shalt  }
0x77: {  	_ =	shalt  }
0x78: {  	_ =	shalt  }
0x79: {  	_ =	shalt  }
0x7a: {  	_ =	shalt  }
0x7b: {  	_ =	shalt  }
0x7c: {  	_ =	shalt  }
0x7d: {  	_ =	shalt  }
0x7e: {  	_ =	shalt  }
0x7f: {  	_ =	shalt  }
0x80: {  	_ =	shalt  }
0x81: {  	_ =	shalt  }
0x82: {  	_ =	shalt  }
0x83: {  	_ =	shalt  }
0x84: {  	_ =	shalt  }
0x85: {  	_ =	shalt  }
0x86: {  	_ =	shalt  }
0x87: {  	_ =	shalt  }
.Lfunc_end0:
.L_simem_size_0:
called_computation_lowered:
.L_overlay_start_0:
0x88: {  	s2 =	sld [smem:$0x3FD9]  }
0x89: {  	s3 =	sld [smem:$0x3FFE];
	_ =	sdelay $0x1  }
0x8a: {  	s1 =	srdreg.scid  }
0x8b: {  	s0 =	sand.u32 $0x1, s1  }
0x8c: {  	s17 =	sshll.u32 s0, $0xA;
	s2 =	sadd.s32 s3, s2  }
0x8d: {  	s2 =	sadd.s32 s2, s17  }
0x8e: {  	[smem:$0x3FC6] =	sst s2  }
0x8f: {  	_ = 	snop  }
0x90: {  	s2 =	sld [smem:$0x3FC9];
	(tm) =	ssettm $0x1  }
0x91: {  	s18 =	sld [smem:$0x3FFB];
	_ =	sdelay $0x3  }
0x92: {  	_ =	strace s18  }
0x93: {  	s3 =	sld [smem:$0x3FFC];
	_ =	sdelay $0x3  }
0x94: {  	_ =	strace s3  }
0x95: {  	s3 =	sld [smem:$0x3FFD];
	_ =	sdelay $0x3  }
0x96: {  	_ =	strace s3  }
0x97: {  	_ =	strace $0x8FFFFFFF  }
0x98: {  	s19 =	sld [smem:$0x3FDB];
	_ =	sdelay $0x1  }
0x99: {  	s4 =	simm.s32 $_scs_section_size  }
0x9a: {  	s5 =	simm.s32 $_size__tile_overlayer_lowered;
	s6 =	simm.s32 $_tile_overlayer_lowered  }
0x9b: {  	s22 =	simm.s32 $0x1BFF;
	s21 =	sshll.u32 s6, $0x1;
	s3 =	sadd.s32 s4, s19  }
0x9c: {  	s7 =	simm.s32 $0x0;
	s20 =	sshll.u32 s5, $0x1;
	s5 =	sadd.s32 s21, s3  }
0x9d: {  	[timem:s7], [sflag:s22] =	dma.local [hbm:s5], s20  }
0x9e: {  	_ =	swait.ge [sflag:s22], s20  }
0x9f: {  	s4 =	ssub.s32 $0x0, s20;
	[sflag:s22] =	ssyncset.done $0x0  }
0xa0: {  	[sflag:s22] =	ssyncadd.s32 s4;
	_ =	sdelay $0x1  }
0xa1: {  	s23 =	simm.s32 $0x1B8B  }
0xa2: {  	_ =	swait.ge [sflag:s23], $0x1  }
0xa3: {  	[sflag:s23] =	ssyncset.done $0x0  }
0xa4: {  	s25 =	simm.s32 $0x1B8E;
	s24 =	sld [smem:$0x3FFE];
	[sflag:s23] =	ssyncadd.s32 $0xFFFFFFFF  }
0xa5: {  	s26 =	simm.s32 $execute0_lowered;
	[smem:$0x3FD2] =	sst s25  }
0xa6: {  	s5 =	sshll.u32 s26, $0x1;
	_ =	strace $0x80000046;
	[dreg:$0x1] =	wrdreg $0xFFFFFFFF  }
0xa7: {  	s28 =	simm.s32 $_size_execute0_lowered;
	s3 =	sadd.s32 s3, s5;
	[dreg:$0x0] =	wrdreg $0x0  }
0xa8: {  	s5 =	sshll.u32 s28, $0x1;
	[dreg:$0x2] =	wrdreg s3  }
0xa9: {  	[dreg:$0x3] =	wrdreg s5  }
0xaa: {  	[dreg:$0x4] =	wrdreg $0xC0  }
0xab: {  	_ =	task [dreg:s7], $0x5FFFF  }
0xac: {  	[dreg:$0x1] =	wrdreg $0xFFFFFFFF  }
0xad: {  	[dreg:$0x0] =	wrdreg $0x60  }
0xae: {  	[dreg:$0x2] =	wrdreg s2  }
0xaf: {  	[dreg:$0x3] =	wrdreg s24  }
0xb0: {  	[dreg:$0x4] =	wrdreg $0x9  }
0xb1: {  	_ =	task.clear_ibuf [dreg:s7], $0x5FFFF;
	_ =	strace $0x90000046  }
0xb2: {  	s29 =	simm.s32 $0x9;
	_ =	strace $0x80000048  }
0xb3: {  	_ =	swait.ge [sflag:s29], $0x1  }
0xb4: {  	[sflag:s29] =	ssyncadd.s32 $0xFFFFFFFF  }
0xb5: {  	_ =	strace $0x90000048  }
0xb6: {  	_ =	sfence  }
0xb7: {  	s30 =	sld [smem:$0x0];
	_ =	sdelay $0x2  }
0xb8: {  	s31 =	sshll.u32 s1, $0xD;
	s1 =	sshrl.u32 s1, $0x2  }
0xb9: {  	s3 =	sand.u32 $0x4000, s31;
	s1 =	sadd.s32 s1, s30  }
0xba: {  	s0 =	sor.u32 s3, s0;
	s1 =	sshll.u32 s1, $0x11  }
0xbb: {  	s0 =	sor.u32 s1, s0  }
0xbc: {  	s0 =	sadd.s32 $0x8F2B, s0  }
0xbd: {  	[sflag:s0] =	ssyncadd.remote.s32 $0x1  }
0xbe: {  	_ =	sfence.sel $0xFFFF  }
0xbf: {  	[dreg:$0x0] =	wrdreg $0xFFFFFFFF;
	(pc) =	sbr.abs _section_cstart, $3  }
0xc0: {  	[dreg:$0x1] =	wrdreg $0xFFFFFFFF  }
0xc1: {  	_ =	task.clear_ibuf [dreg:s7], $0x2FFFF;
	_ =	strace $0x9FFFFFFF  }
0xc2: {  	(tm) =	ssettm $0x7FFFFFFF  }
0xc3: {  	_ =	shalt  }
tec
execute0_lowered:
.L_overlay_start_1:
0x0: {  	(tag) =	ssettag $0x1  }
0x1: {  	s4 =	rddreg [dreg:$0x0]  }
0x2: {  	s5 =	rddreg [dreg:$0x1]  }
0x3: {  	s0 =	rddreg [dreg:$0x2];
	s3 =	srdreg.scid  }
0x4: {  	s2 =	simm.s32 $0x0;
	s1 =	stileid.u32;
	s9 =	simm.s32 $0x40000  }
0x5: {  	s10 =	simm.s32 $0x1;
	s11 =	simm.s32 $0x400;
	s12 =	simm.s32 $0x8000  }
0x6: {  	s13 =	simm.s32 $0x4;
	s14 =	simm.s32 $0x0;
	s3 =	sand.u32 $0x1, s3  }
0x7: {  	[smem:$0x7FF] =	sst s2;
	s6 =	sshll.u32 s1, $0x8;
	s7 =	sshll.u32 s3, $0x7  }
0x8: {  	_ =	strace $0x80000047;
	s31 =	ssub.s32 $0x2, s3;
	s6 =	sor.u32 s7, s6  }
0x9: {  	s3 =	sadd.s32 $0x800, s5;
	s8 =	sshrl.u32 s31, $0x1;
	s5 =	sadd.s32 s6, s5  }
0xa: {  	s7 =	ssub.s32 s31, s8;
	s4 =	sadd.s32 s4, s6;
	s8 =	simm.s32 $0x7  }
0xb: {  	s5 =	sadd.s32 $0xA00, s5;
	s6 =	smax.u32 s7, $0x1;
	s7 =	simm.s32 $0xC000  }
.LBB2_1:
0xc: {  	[tilespmem:s7], [sflag:$0x7] =	stream.linear.gather [hbm4b:s3+s2], $0x80, $0x38;
	[tilespmem:$0xC080] =	vst v63  }
0xd: {  	_ =	swait.ge [sflag:s8], $0x80  }
0xe: {  	[sflag:s8] =	ssyncset.done $0x0  }
0xf: {  	[sflag:s8] =	ssyncadd.s32 $0xFFFFFF80  }
0x10: {  	v0 =	vld [tilespmem:$0xC000];
	_ =	sdelay $0x4  }
0x11: {  	v0 =	vsub.f32 $0.0e+00, v0;
	_ =	sdelay $0x1  }
0x12: {  	v0 =	vmul.f32 $1.442695020e+00, v0;
	_ =	sdelay $0x1  }
0x13: {  	(erf) = vpow2.f32 v0;
	_ =	sdelay $0x8  }
0x14: {  	v0 =	vpop (erf)  }
0x15: {  	v0 =	vadd.f32 $1.000000000e+00, v0;
	_ =	sdelay $0x1  }
0x16: {  	(erf) = vrcp.f32 v0;
	_ =	sdelay $0x8  }
0x17: {  	[tilespmem:s2], [sflag:$0x1] =	stream.strided.gather [hbm4b:s4+s11], $0x4000, s9, s11, $0x38;
	v0 =	vpop (erf);
	[tilespmem:$0xC080] =	vst v63  }
0x18: {  	_ =	swait.ge [sflag:s10], $0x4000  }
0x19: {  	s15 =	simm.s32 $0x200;
	[sflag:s10] =	ssyncset.done $0x0  }
0x1a: {  	s16 =	simm.s32 $0x400;
	s17 =	simm.s32 $0x0;
	v0 =	vxor.u32 $0x80000000, v0;
	[sflag:s10] =	ssyncadd.s32 $0xFFFFC000  }
.LBB2_2:
0x1b: {  	v3 =	vld [tilespmem:s16+$0x200]  }
0x1c: {  	v1 =	vld [tilespmem:s16+$0x280]  }
0x1d: {  	v2 =	vld [tilespmem:s16+$0x300]  }
0x1e: {  	v9 =	vld [tilespmem:s16+$0x0]  }
0x1f: {  	v4 =	vld [tilespmem:s16+$0x80]  }
0x20: {  	v5 =	vld [tilespmem:s16+$0x100]  }
0x21: {  	v10 =	vld [tilespmem:s16+$0xFFFFFE00]  }
0x22: {  	v6 =	vld [tilespmem:s16+$0xFFFFFE80]  }
0x23: {  	v11 =	vld [tilespmem:s16+$0xFFFFFC00]  }
0x24: {  	v8 =	vld [tilespmem:s16+$0xFFFFFF00]  }
0x25: {  	v13 =	vld [tilespmem:s16+$0xFFFFFC80]  }
0x26: {  	v14 =	vld [tilespmem:s16+$0xFFFFFD00]  }
0x27: {  	v7 =	vimm.f32 $-3.000000010e+38;
	v16 =	vld [tilespmem:s16+$0xFFFFFD80]  }
0x28: {  	v15 =	vld [tilespmem:s16+$0xFFFFFF80];
	v11 =	vmax.f32 v7, v11  }
0x29: {  	v12 =	vld [tilespmem:s16+$0x180];
	v10 =	vmax.f32 v11, v10  }
0x2a: {  	s18 =	simm.s32 $0x0;
	s19 =	sadd.s32 $0x800, s16;
	v11 =	vld [tilespmem:s16+$0x380];
	v17 =	vmax.f32 v10, v9;
	v9 =	vimm.f32 $-3.000000010e+38;
	v10 =	vimm.f32 $-3.000000010e+38  }
.LBB2_3:
0x2b: {  	v17 =	vmax.f32 v17, v3;
	v3 =	vld [tilespmem:s19+$0x200]  }
0x2c: {  	v7 =	vmax.f32 v7, v13;
	v9 =	vmax.f32 v9, v14;
	v18 =	vld [tilespmem:s19+$0x280];
	v10 =	vmax.f32 v10, v16  }
0x2d: {  	v6 =	vmax.f32 v7, v6;
	v7 =	vmax.f32 v9, v8;
	v13 =	vld [tilespmem:s19+$0x300];
	v8 =	vmax.f32 v10, v15  }
0x2e: {  	v6 =	vmax.f32 v6, v4;
	v5 =	vmax.f32 v7, v5;
	v19 =	vld [tilespmem:s19+$0x0];
	v8 =	vmax.f32 v8, v12  }
0x2f: {  	v7 =	vmax.f32 v6, v1;
	v9 =	vmax.f32 v5, v2;
	v4 =	vld [tilespmem:s19+$0x80];
	v10 =	vmax.f32 v8, v11  }
0x30: {  	v5 =	vld [tilespmem:s19+$0x100]  }
0x31: {  	v11 =	vld [tilespmem:s19+$0xFFFFFE00];
	v1 =	vmov v18  }
0x32: {  	v6 =	vld [tilespmem:s19+$0xFFFFFE80];
	v2 =	vmov v13  }
0x33: {  	v12 =	vld [tilespmem:s19+$0xFFFFFC00]  }
0x34: {  	s18 =	sadd.s32 $0x10, s18;
	v8 =	vld [tilespmem:s19+$0xFFFFFF00]  }
0x35: {  	p0 =	slt.u32 s18, $0x70;
	v13 =	vld [tilespmem:s19+$0xFFFFFC80]  }
.Ltmp0:
0x36: {  	v14 =	vld [tilespmem:s19+$0xFFFFFD00];
	(pc) =	sbr.rel @p0 .LBB2_3-.Ltmp0, $4  }
0x37: {  	v16 =	vld [tilespmem:s19+$0xFFFFFD80]  }
0x38: {  	v12 =	vmax.f32 v17, v12;
	v15 =	vld [tilespmem:s19+$0xFFFFFF80]  }
0x39: {  	v11 =	vmax.f32 v12, v11;
	v12 =	vld [tilespmem:s19+$0x180]  }
0x3a: {  	v17 =	vmax.f32 v11, v19;
	v11 =	vld [tilespmem:s19+$0x380];
	s19 =	sadd.s32 $0x800, s19  }
0x3b: {  	v3 =	vmax.f32 v17, v3  }
0x3c: {  	v7 =	vmax.f32 v7, v13;
	v9 =	vmax.f32 v9, v14;
	v10 =	vmax.f32 v10, v16  }
0x3d: {  	v6 =	vmax.f32 v7, v6;
	v60 =	vmax.f32 v9, v8;
	v61 =	vmax.f32 v10, v15  }
0x3e: {  	v4 =	vmax.f32 v6, v4;
	v5 =	vmax.f32 v60, v5;
	v62 =	vmax.f32 v61, v12  }
0x3f: {  	v1 =	vmax.f32 v4, v1;
	v2 =	vmax.f32 v5, v2;
	v63 =	vmax.f32 v62, v11  }
0x40: {  	v1 =	vmax.f32 v3, v1;
	v2 =	vmax.f32 v2, v63  }
0x41: {  	v2 =	vmax.f32 v1, v2  }
0x42: {  	s18 =	simm.s32 $0x0;
	v1 =	vadd.f32 $-1.000000000e+00, v2;
	v2 =	vadd.f32 $-7.812500000e-03, v2  }
.LBB2_5:
0x43: {  	v4 =	vld [tilespmem:s16+$0xFFFFFD80]  }
0x44: {  	v5 =	vld [tilespmem:s16+$0xFFFFFF00]  }
0x45: {  	v6 =	vld [tilespmem:s16+$0xFFFFFE80]  }
0x46: {  	v7 =	vld [tilespmem:s16+$0xFFFFFF80]  }
0x47: {  	v8 =	vld [tilespmem:s16+$0xFFFFFC80]  }
0x48: {  	v9 =	vld [tilespmem:s16+$0xFFFFFD00]  }
0x49: {  	v10 =	vld [tilespmem:s16+$0xFFFFFC00]  }
0x4a: {  	v11 =	vld [tilespmem:s16+$0xFFFFFE00];
	v3 =	vadd.f32 v2, v1  }
0x4b: {  	v12 =	vld [tilespmem:s16+$0x180]  }
0x4c: {  	v13 =	vld [tilespmem:s16+$0x80];
	v3 =	vmul.f32 $5.000000000e-01, v3  }
0x4d: {  	v14 =	vld [tilespmem:s16+$0x100]  }
0x4e: {  	v17 =	vld [tilespmem:s16+$0x300];
	v4 =	vsub.f32 v4, v3  }
0x4f: {  	v15 =	vld [tilespmem:s16+$0x380];
	s20 =	sadd.s32 $0x800, s16;
	v6 =	vsub.f32 v6, v3;
	v8 =	vsub.f32 v8, v3  }
0x50: {  	v21 =	vld [tilespmem:s20+$0xFFFFFD80];
	v9 =	vsub.f32 v9, v3;
	v5 =	vsub.f32 v5, v3  }
0x51: {  	v19 =	vld [tilespmem:s16+$0x280];
	v11 =	vsub.f32 v11, v3;
	v10 =	vsub.f32 v10, v3  }
0x52: {  	v22 =	vld [tilespmem:s20+$0xFFFFFF00];
	v12 =	vsub.f32 v12, v3;
	v7 =	vsub.f32 v7, v3  }
0x53: {  	v17 =	vsub.f32 v17, v3;
	v14 =	vsub.f32 v14, v3  }
0x54: {  	v16 =	vimm.f32 $0.0e+00;
	v13 =	vsub.f32 v13, v3;
	v15 =	vsub.f32 v15, v3  }
0x55: {  	v20 =	vld [tilespmem:s16+$0x200];
	v21 =	vsub.f32 v21, v3;
	v4 =	vmax.f32 v4, $0.0e+00;
	v18 =	vmax.f32 v6, $0.0e+00  }
0x56: {  	v25 =	vld [tilespmem:s20+$0xFFFFFD00];
	v8 =	vmax.f32 v8, $0.0e+00;
	v9 =	vmax.f32 v9, $0.0e+00;
	v10 =	vmax.f32 v10, $0.0e+00  }
0x57: {  	v27 =	vld [tilespmem:s20+$0xFFFFFC00];
	v28 =	vmax.f32 v13, $0.0e+00;
	v13 =	vsub.f32 v19, v3;
	v19 =	vsub.f32 v22, v3  }
0x58: {  	v6 =	vld [tilespmem:s16+$0x0];
	v5 =	vmax.f32 v5, $0.0e+00;
	v9 =	vadd.f32 v9, v16;
	v24 =	vadd.f32 v10, v16  }
0x59: {  	v11 =	vmax.f32 v11, $0.0e+00;
	v10 =	vld [tilespmem:s20+$0xFFFFFC80];
	v4 =	vadd.f32 v4, v16;
	v16 =	vadd.f32 v8, v16  }
0x5a: {  	v7 =	vmax.f32 v7, $0.0e+00;
	v8 =	vsub.f32 v20, v3;
	v20 =	vld [tilespmem:s20+$0xFFFFFE00];
	v9 =	vadd.f32 v5, v9  }
0x5b: {  	v23 =	vmax.f32 v12, $0.0e+00;
	v12 =	vld [tilespmem:s20+$0xFFFFFE80];
	v7 =	vadd.f32 v7, v4;
	v16 =	vadd.f32 v18, v16  }
0x5c: {  	v29 =	vld [tilespmem:s20+$0x180];
	v17 =	vmax.f32 v17, $0.0e+00;
	v18 =	vsub.f32 v25, v3;
	v25 =	vsub.f32 v27, v3  }
0x5d: {  	v14 =	vmax.f32 v14, $0.0e+00;
	v5 =	vld [tilespmem:s20+$0xFFFFFF80];
	v24 =	vadd.f32 v11, v24;
	v6 =	vsub.f32 v6, v3  }
0x5e: {  	v15 =	vmax.f32 v15, $0.0e+00;
	v11 =	vld [tilespmem:s20+$0x280];
	v30 =	vadd.f32 v14, v9;
	v7 =	vadd.f32 v23, v7  }
0x5f: {  	v14 =	vld [tilespmem:s20+$0x100];
	v23 =	vmax.f32 v18, $0.0e+00;
	v9 =	vsub.f32 v10, v3;
	v20 =	vsub.f32 v20, v3  }
0x60: {  	v18 =	vld [tilespmem:s20+$0x300];
	v26 =	vmax.f32 v6, $0.0e+00;
	v6 =	vmax.f32 v21, $0.0e+00;
	v21 =	vsub.f32 v12, v3  }
0x61: {  	v12 =	vmax.f32 v8, $0.0e+00;
	v8 =	vld [tilespmem:s20+$0x80];
	v22 =	vadd.f32 v17, v30;
	v15 =	vadd.f32 v15, v7  }
0x62: {  	v17 =	vld [tilespmem:s20+$0x0];
	v10 =	vmax.f32 v9, $0.0e+00;
	v7 =	vmax.f32 v20, $0.0e+00;
	v20 =	vmax.f32 v25, $0.0e+00  }
0x63: {  	v9 =	vld [tilespmem:s20+$0x380];
	v24 =	vadd.f32 v26, v24;
	v4 =	vmax.f32 v21, $0.0e+00;
	v22 =	vadd.f32 v23, v22  }
0x64: {  	s19 =	simm.s32 $0x10;
	v21 =	vmax.f32 v19, $0.0e+00;
	v19 =	vadd.f32 v28, v16;
	v23 =	vsub.f32 v29, v3;
	v16 =	vld [tilespmem:s20+$0x200];
	s20 =	sadd.s32 $0x800, s20  }
.LBB2_6:
0x65: {  	v25 =	vld [tilespmem:s20+$0xFFFFFD80];
	s19 =	sadd.s32 $0x10, s19;
	v21 =	vadd.f32 v21, v22;
	v5 =	vsub.f32 v5, v3;
	v13 =	vmax.f32 v13, $0.0e+00  }
0x66: {  	v22 =	vld [tilespmem:s20+$0xFFFFFF00];
	p0 =	slt.u32 s19, $0x70;
	v23 =	vmax.f32 v23, $0.0e+00;
	v18 =	vsub.f32 v18, v3;
	v12 =	vadd.f32 v12, v24  }
0x67: {  	v14 =	vsub.f32 v14, v3;
	v13 =	vadd.f32 v13, v19;
	v24 =	vld [tilespmem:s20+$0xFFFFFE80];
	v26 =	vmax.f32 v5, $0.0e+00  }
0x68: {  	v5 =	vld [tilespmem:s20+$0xFFFFFF80];
	v19 =	vadd.f32 v20, v12;
	v12 =	vsub.f32 v17, v3;
	v17 =	vmax.f32 v18, $0.0e+00  }
0x69: {  	v15 =	vadd.f32 v6, v15;
	v6 =	vsub.f32 v8, v3;
	v8 =	vmax.f32 v14, $0.0e+00;
	v18 =	vld [tilespmem:s20+$0xFFFFFC80]  }
0x6a: {  	v10 =	vadd.f32 v10, v13;
	v14 =	vld [tilespmem:s20+$0xFFFFFD00];
	v20 =	vsub.f32 v25, v3;
	v25 =	vmax.f32 v12, $0.0e+00  }
0x6b: {  	v9 =	vsub.f32 v9, v3;
	v28 =	vmax.f32 v6, $0.0e+00;
	v12 =	vsub.f32 v16, v3;
	v27 =	vld [tilespmem:s20+$0xFFFFFC00]  }
0x6c: {  	v15 =	vadd.f32 v26, v15;
	v6 =	vmax.f32 v20, $0.0e+00;
	v16 =	vld [tilespmem:s20+$0xFFFFFE00];
	v20 =	vsub.f32 v24, v3  }
0x6d: {  	v21 =	vadd.f32 v8, v21;
	v13 =	vsub.f32 v11, v3;
	v12 =	vmax.f32 v12, $0.0e+00;
	v24 =	vld [tilespmem:s20+$0x180]  }
0x6e: {  	v29 =	vmax.f32 v9, $0.0e+00;
	v26 =	vadd.f32 v4, v10;
	v11 =	vsub.f32 v18, v3;
	v8 =	vld [tilespmem:s20+$0x80]  }
0x6f: {  	v15 =	vadd.f32 v23, v15;
	v4 =	vmax.f32 v20, $0.0e+00;
	v18 =	vsub.f32 v14, v3;
	v14 =	vld [tilespmem:s20+$0x100]  }
.Ltmp1:
0x70: {  	v20 =	vadd.f32 v17, v21;
	v10 =	vmax.f32 v11, $0.0e+00;
	v11 =	vsub.f32 v22, v3;
	v9 =	vld [tilespmem:s20+$0x380];
	(pc) =	sbr.rel @p0 .LBB2_6-.Ltmp1, $4  }
0x71: {  	v15 =	vadd.f32 v29, v15;
	v22 =	vmax.f32 v18, $0.0e+00;
	v16 =	vsub.f32 v16, v3;
	v18 =	vld [tilespmem:s20+$0x300]  }
0x72: {  	v23 =	vsub.f32 v27, v3;
	v27 =	vadd.f32 v7, v19;
	v21 =	vmax.f32 v11, $0.0e+00;
	v17 =	vld [tilespmem:s20+$0x0]  }
0x73: {  	v19 =	vadd.f32 v28, v26;
	v22 =	vadd.f32 v22, v20;
	v7 =	vmax.f32 v16, $0.0e+00;
	v11 =	vld [tilespmem:s20+$0x280]  }
0x74: {  	v20 =	vmax.f32 v23, $0.0e+00;
	v23 =	vsub.f32 v24, v3;
	v24 =	vadd.f32 v25, v27;
	v16 =	vld [tilespmem:s20+$0x200];
	s20 =	sadd.s32 $0x800, s20  }
0x75: {  	v21 =	vadd.f32 v21, v22;
	v5 =	vsub.f32 v5, v3  }
0x76: {  	v14 =	vsub.f32 v14, v3;
	v6 =	vadd.f32 v6, v15  }
0x77: {  	v13 =	vmax.f32 v13, $0.0e+00;
	v8 =	vsub.f32 v8, v3;
	v9 =	vsub.f32 v9, v3  }
0x78: {  	v12 =	vadd.f32 v12, v24;
	v13 =	vadd.f32 v13, v19  }
0x79: {  	v18 =	vsub.f32 v18, v3;
	v5 =	vmax.f32 v5, $0.0e+00;
	v17 =	vsub.f32 v17, v3  }
0x7a: {  	v58 =	vmax.f32 v14, $0.0e+00;
	v12 =	vadd.f32 v20, v12;
	v10 =	vadd.f32 v10, v13  }
0x7b: {  	v56 =	vmax.f32 v23, $0.0e+00;
	v5 =	vadd.f32 v5, v6;
	v61 =	vadd.f32 v58, v21  }
0x7c: {  	v8 =	vmax.f32 v8, $0.0e+00;
	v11 =	vsub.f32 v11, v3;
	v59 =	vsub.f32 v16, v3  }
0x7d: {  	v57 =	vmax.f32 v18, $0.0e+00;
	v4 =	vadd.f32 v4, v10;
	v7 =	vadd.f32 v7, v12  }
0x7e: {  	v60 =	vmax.f32 v17, $0.0e+00;
	v5 =	vadd.f32 v56, v5;
	v6 =	vadd.f32 v57, v61  }
0x7f: {  	v9 =	vmax.f32 v9, $0.0e+00;
	v4 =	vadd.f32 v8, v4;
	v7 =	vadd.f32 v60, v7  }
0x80: {  	v63 =	vmax.f32 v11, $0.0e+00;
	v62 =	vmax.f32 v59, $0.0e+00;
	v5 =	vadd.f32 v9, v5  }
0x81: {  	v7 =	vadd.f32 v62, v7;
	v4 =	vadd.f32 v63, v4  }
0x82: {  	s18 =	sadd.s32 $0x1, s18  }
0x83: {  	p0 =	sne.s32 s18, $0x8;
	v5 =	vadd.f32 v5, v6;
	v4 =	vadd.f32 v4, v7  }
.Ltmp2:
0x84: {  	_ = 	snop;
	(pc) =	sbr.rel @p0 .LBB2_5-.Ltmp2, $3  }
0x85: {  	v4 =	vadd.f32 v5, v4;
	_ =	sdelay $0x1  }
0x86: {  	vm0 =	vgt.f32 v4, $1.000000000e+00  }
0x87: {  	v1 =	vsel vm0, v3, v1;
	v2 =	vsel vm0, v2, v3  }
0x88: {  	v3 =	vld [tilespmem:s15+$0xFFFFFF00]  }
0x89: {  	v4 =	vld [tilespmem:s15+$0x100]  }
0x8a: {  	v1 =	vadd.f32 v2, v1;
	v2 =	vld [tilespmem:s15+$0xFFFFFE80]  }
0x8b: {  	v6 =	vld [tilespmem:s15+$0xFFFFFE00]  }
0x8c: {  	v5 =	vld [tilespmem:s15+$0x180];
	v1 =	vmul.f32 $5.000000000e-01, v1  }
0x8d: {  	v7 =	vld [tilespmem:s15+$0x0]  }
0x8e: {  	v3 =	vsub.f32 v3, v1  }
0x8f: {  	v8 =	vld [tilespmem:s15+$0xFFFFFF80];
	v4 =	vsub.f32 v4, v1  }
0x90: {  	v2 =	vsub.f32 v2, v1;
	v6 =	vsub.f32 v6, v1;
	v3 =	vmax.f32 v3, $0.0e+00  }
0x91: {  	v9 =	vld [tilespmem:s15+$0x80];
	v5 =	vsub.f32 v5, v1;
	v4 =	vmax.f32 v4, $0.0e+00;
	v3 =	vmul.f32 v0, v3  }
0x92: {  	v7 =	vsub.f32 v7, v1;
	v2 =	vmax.f32 v2, $0.0e+00;
	v4 =	vmul.f32 v0, v4  }
0x93: {  	v5 =	vmax.f32 v5, $0.0e+00;
	v2 =	vmul.f32 v0, v2;
	v3 =	vmul.f32 $1.442695020e+00, v3  }
0x94: {  	s18 =	sadd.s32 $0x400, s15;
	v8 =	vsub.f32 v8, v1;
	v5 =	vmul.f32 v0, v5;
	v4 =	vmul.f32 $1.442695020e+00, v4  }
0x95: {  	v10 =	vld [tilespmem:s18+$0xFFFFFF00];
	v7 =	vmax.f32 v7, $0.0e+00;
	v2 =	vmul.f32 $1.442695020e+00, v2;
	(erf) = vpow2.f32 v3  }
0x96: {  	v5 =	vmul.f32 $1.442695020e+00, v5;
	v3 =	vsub.f32 v9, v1;
	v9 =	vld [tilespmem:s18+$0x100];
	(erf) = vpow2.f32 v4  }
0x97: {  	v7 =	vmul.f32 v0, v7;
	(erf) = vpow2.f32 v2  }
0x98: {  	v6 =	vmax.f32 v6, $0.0e+00;
	v8 =	vmax.f32 v8, $0.0e+00;
	(erf) = vpow2.f32 v5;
	v5 =	vld [tilespmem:s18+$0x180]  }
0x99: {  	v6 =	vmul.f32 v0, v6;
	v7 =	vmul.f32 $1.442695020e+00, v7;
	v4 =	vld [tilespmem:s18+$0xFFFFFE00];
	v3 =	vmax.f32 v3, $0.0e+00  }
0x9a: {  	v10 =	vsub.f32 v10, v1;
	v8 =	vmul.f32 v0, v8;
	v2 =	vld [tilespmem:s18+$0xFFFFFE80];
	v3 =	vmul.f32 v0, v3  }
0x9b: {  	v6 =	vmul.f32 $1.442695020e+00, v6;
	(erf) = vpow2.f32 v7;
	v7 =	vld [tilespmem:s18+$0x0];
	v9 =	vsub.f32 v9, v1  }
0x9c: {  	v11 =	vld [tilespmem:s18+$0xFFFFFF80];
	v10 =	vmax.f32 v10, $0.0e+00;
	v8 =	vmul.f32 $1.442695020e+00, v8;
	v3 =	vmul.f32 $1.442695020e+00, v3  }
0x9d: {  	(erf) = vpow2.f32 v6;
	v6 =	vmul.f32 v0, v10;
	v5 =	vsub.f32 v5, v1  }
0x9e: {  	(erf) = vpow2.f32 v8;
	v8 =	vsub.f32 v4, v1;
	v4 =	vmax.f32 v9, $0.0e+00  }
0x9f: {  	v2 =	vsub.f32 v2, v1;
	v10 =	vmul.f32 v0, v4;
	v9 =	vpop (erf)  }
0xa0: {  	v4 =	vmul.f32 $1.442695020e+00, v6;
	(erf) = vpow2.f32 v3;
	v6 =	vsub.f32 v7, v1;
	v7 =	vpop (erf)  }
0xa1: {  	[tilespmem:s15+$0xFFFFFF00] =	vst v9;
	v9 =	vsub.f32 v11, v1;
	v3 =	vmul.f32 $1.442695020e+00, v10;
	v10 =	vmax.f32 v5, $0.0e+00;
	v5 =	vpop (erf)  }
0xa2: {  	[tilespmem:s15+$0xFFFFFE80] =	vst v5;
	v5 =	vld [tilespmem:s18+$0x80]  }
0xa3: {  	v2 =	vmax.f32 v2, $0.0e+00  }
0xa4: {  	v11 =	vmax.f32 v8, $0.0e+00;
	[tilespmem:s15+$0x100] =	vst v7;
	v7 =	vmul.f32 v0, v2;
	v8 =	vmax.f32 v6, $0.0e+00;
	v12 =	vpop (erf)  }
0xa5: {  	s20 =	simm.s32 $0x8;
	s19 =	smov.u32 s15;
	s21 =	sadd.s32 $0x400, s18;
	v2 =	vmul.f32 v0, v11;
	v10 =	vmul.f32 v0, v10;
	v6 =	vmax.f32 v9, $0.0e+00;
	[tilespmem:s15+$0x180] =	vst v12;
	v9 =	vpop (erf)  }
.LBB2_9:
0xa6: {  	v11 =	vld [tilespmem:s21+$0xFFFFFF00];
	s20 =	sadd.s32 $0x8, s20;
	v8 =	vmul.f32 v0, v8;
	(erf) = vpow2.f32 v4;
	[tilespmem:s19+$0x0] =	vst v9  }
0xa7: {  	v13 =	vmul.f32 $1.442695020e+00, v7;
	v4 =	vld [tilespmem:s21+$0x180];
	p0 =	slt.u32 s20, $0x78;
	v5 =	vsub.f32 v5, v1;
	v9 =	vmul.f32 $1.442695020e+00, v10;
	v10 =	vpop (erf)  }
0xa8: {  	v12 =	vld [tilespmem:s21+$0x100];
	v8 =	vmul.f32 $1.442695020e+00, v8;
	(erf) = vpow2.f32 v3;
	[tilespmem:s19+$0xFFFFFE00] =	vst v10;
	v3 =	vpop (erf)  }
0xa9: {  	v6 =	vmul.f32 v0, v6;
	v10 =	vld [tilespmem:s21+$0xFFFFFE00];
	v5 =	vmax.f32 v5, $0.0e+00;
	(erf) = vpow2.f32 v13;
	[tilespmem:s19+$0xFFFFFF80] =	vst v3  }
0xaa: {  	v3 =	vld [tilespmem:s21+$0xFFFFFE80];
	v5 =	vmul.f32 v0, v5;
	(erf) = vpow2.f32 v9;
	v7 =	vpop (erf)  }
0xab: {  	v2 =	vmul.f32 $1.442695020e+00, v2;
	v9 =	vsub.f32 v11, v1;
	v11 =	vld [tilespmem:s21+$0x0];
	(erf) = vpow2.f32 v8;
	[tilespmem:s19+$0x80] =	vst v7;
	s19 =	smov.u32 s18;
	s18 =	smov.u32 s21  }
0xac: {  	v6 =	vmul.f32 $1.442695020e+00, v6;
	v7 =	vld [tilespmem:s21+$0xFFFFFF80];
	v5 =	vmul.f32 $1.442695020e+00, v5  }
0xad: {  	v8 =	vmax.f32 v9, $0.0e+00;
	v12 =	vsub.f32 v12, v1;
	(erf) = vpow2.f32 v2  }
0xae: {  	v2 =	vmul.f32 v0, v8;
	(erf) = vpow2.f32 v6  }
0xaf: {  	v6 =	vsub.f32 v10, v1;
	v3 =	vsub.f32 v3, v1;
	v8 =	vmax.f32 v12, $0.0e+00;
	v9 =	vpop (erf)  }
.Ltmp3:
0xb0: {  	v10 =	vsub.f32 v4, v1;
	v8 =	vmul.f32 v0, v8;
	[tilespmem:s19+$0xFFFFFF00] =	vst v9;
	(erf) = vpow2.f32 v5;
	(pc) =	sbr.rel @p0 .LBB2_9-.Ltmp3, $4  }
0xb1: {  	v4 =	vmul.f32 $1.442695020e+00, v2;
	v2 =	vsub.f32 v11, v1;
	v13 =	vmax.f32 v3, $0.0e+00;
	v5 =	vld [tilespmem:s21+$0x80];
	v11 =	vpop (erf)  }
0xb2: {  	v10 =	vmax.f32 v10, $0.0e+00;
	v12 =	vsub.f32 v7, v1;
	v3 =	vmul.f32 $1.442695020e+00, v8;
	[tilespmem:s19+$0x100] =	vst v11;
	v11 =	vpop (erf)  }
0xb3: {  	v6 =	vmax.f32 v6, $0.0e+00;
	v7 =	vmul.f32 v0, v13;
	v8 =	vmax.f32 v2, $0.0e+00;
	[tilespmem:s19+$0xFFFFFE80] =	vst v11;
	v9 =	vpop (erf)  }
0xb4: {  	v10 =	vmul.f32 v0, v10;
	s21 =	sadd.s32 $0x400, s21;
	v2 =	vmul.f32 v0, v6;
	v6 =	vmax.f32 v12, $0.0e+00;
	[tilespmem:s19+$0x180] =	vst v9;
	v9 =	vpop (erf)  }
0xb5: {  	v8 =	vmul.f32 v0, v8;
	(erf) = vpow2.f32 v4  }
0xb6: {  	v61 =	vmul.f32 $1.442695020e+00, v7;
	v1 =	vsub.f32 v5, v1;
	v62 =	vmul.f32 $1.442695020e+00, v10  }
0xb7: {  	(erf) = vpow2.f32 v3;
	v3 =	vmul.f32 v0, v6  }
0xb8: {  	v2 =	vmul.f32 $1.442695020e+00, v2;
	v63 =	vmul.f32 $1.442695020e+00, v8;
	v1 =	vmax.f32 v1, $0.0e+00  }
0xb9: {  	(erf) = vpow2.f32 v61;
	v1 =	vmul.f32 v0, v1  }
0xba: {  	(erf) = vpow2.f32 v62;
	v3 =	vmul.f32 $1.442695020e+00, v3  }
0xbb: {  	(erf) = vpow2.f32 v63;
	v1 =	vmul.f32 $1.442695020e+00, v1  }
0xbc: {  	(erf) = vpow2.f32 v2  }
0xbd: {  	[tilespmem:s19+$0x0] =	vst v9;
	v2 =	vpop (erf);
	(erf) = vpow2.f32 v3  }
0xbe: {  	[tilespmem:s19+$0xFFFFFE00] =	vst v2;
	v2 =	vpop (erf);
	(erf) = vpow2.f32 v1  }
0xbf: {  	[tilespmem:s19+$0xFFFFFF80] =	vst v2;
	v1 =	vpop (erf)  }
0xc0: {  	v2 =	vpop (erf);
	[tilespmem:s19+$0x80] =	vst v1  }
0xc1: {  	[tilespmem:s18+$0xFFFFFF00] =	vst v2;
	v1 =	vpop (erf)  }
0xc2: {  	s17 =	sadd.s32 $0x1, s17;
	[tilespmem:s18+$0x100] =	vst v1;
	v1 =	vpop (erf)  }
0xc3: {  	p0 =	sne.s32 s17, $0x8;
	[tilespmem:s18+$0xFFFFFE80] =	vst v1;
	v1 =	vpop (erf)  }
.Ltmp4:
0xc4: {  	[tilespmem:s18+$0x180] =	vst v1;
	v1 =	vpop (erf);
	(pc) =	sbr.rel @p0 .LBB2_2-.Ltmp4, $4  }
0xc5: {  	[tilespmem:s18+$0x0] =	vst v1;
	v1 =	vpop (erf)  }
0xc6: {  	[tilespmem:s18+$0xFFFFFE00] =	vst v1;
	v1 =	vpop (erf)  }
0xc7: {  	[tilespmem:s18+$0xFFFFFF80] =	vst v1;
	v1 =	vpop (erf)  }
0xc8: {  	s16 =	sadd.s32 $0x10, s16;
	s15 =	sadd.s32 $0x10, s15;
	[tilespmem:s18+$0x80] =	vst v1  }
0xc9: {  	s14 =	sadd.s32 $0x1, s14  }
0xca: {  	p0 =	sne.s32 s14, s6  }
.Ltmp5:
0xcb: {  	_ = 	snop;
	(pc) =	sbr.rel @p0 .LBB2_1-.Ltmp5, $4  }
0xcc: {  	[hbm4b:s5+s11] =	stream.strided.scatter [tilespmem:s2], [sflag:$0x4], $0x4000, s12, s11, $0x38;
	[tilespmem:$0xC080] =	vst v63  }
0xcd: {  	_ =	swait.ge [sflag:s13], $0x4000  }
0xce: {  	[sflag:s13] =	ssyncset.done $0x0  }
0xcf: {  	[sflag:s13] =	ssyncadd.s32 $0xFFFFC000  }
0xd0: {  	_ =	sfence.sel $0x180000  }
0xd1: {  	[bflag:$0x0] =	sbarrier.arrive $0xFFFF  }
0xd2: {  	p0 =	sne.s32 s1, $0x0;
	_ =	strace $0x90000047  }
0xd3: {  	s0 =	sadd.s32 @!p0 $0x100000, s0;
	[bflag:$0x2] =	sbarrier.arrive $0xFFFF  }
0xd4: {  	[sflag:s0] =	ssyncadd.tile.s32 @!p0 $0x1;
	_ =	shalt  }
.Lfunc_end2:
_tile_overlayer_lowered:
.L_overlay_start_2:
0xd5: {  	(tag) =	ssettag $0x2  }
0xd6: {  	s0 =	rddreg [dreg:$0x0];
	s2 =	stileid.u32  }
0xd7: {  	s1 =	rddreg [dreg:$0x1];
	p0 =	sne.s32 s2, $0x0  }
0xd8: {  	s3 =	rddreg [dreg:$0x2];
	[bflag:$0x3] =	sbarrier.arrive $0xFFFF;
	s2 =	simm.s32 @!p0 $0x1C07  }
0xd9: {  	[timem:s3], [sflag:s2] =	dma.local @!p0 [hbm:s0], s1  }
0xda: {  	s0 =	simm.s32 @!p0 $0x7  }
0xdb: {  	_ =	swait.ge @!p0 [sflag:s0], s1  }
0xdc: {  	s1 =	ssub.s32 @!p0 $0x0, s1;
	[sflag:s0] =	ssyncset.done @!p0 $0x0  }
0xdd: {  	[sflag:s0] =	ssyncadd.s32 @!p0 s1  }
0xde: {  	[bflag:$0x3] =	sbarrier.arrive $0xFFFF  }
0xdf: {  	_ =	shalt  }

</sc_bundles>
